<compile_context>
chip_gen: v7x
topology: tpu7x:2x2x1
jax: 0.10.2.dev20260603
libtpu: 0.0.44.dev20260713+nightly
codegen_flags: <defaults>
</compile_context>

<pallas_src>
import jax
import jax.numpy as jnp
from jax import lax
from jax.experimental import pallas as pl
from jax.experimental.pallas import tpu as pltpu
from jax.experimental.pallas import tpu_sc as plsc

E = 64
T = 128
D = 1024
F = 1024
G = 2
NG = E // G
NBUF = 2
PF = 1

SC_NC = 2
SC_NS = 16
SC_L = 16
SC_WORKERS = SC_NC * SC_NS
TPW = T // SC_WORKERS
NV = E // SC_L

_NEG = -3.4028235e38


def _routing_sc_kernel(logits_hbm, route_hbm, logits_v, route_v):
    wid = lax.axis_index("s") * SC_NC + lax.axis_index("c")
    base = wid * TPW
    pltpu.sync_copy(logits_hbm.at[pl.ds(base, TPW)], logits_v)
    lane = jnp.arange(SC_L, dtype=jnp.int32)
    acc = jnp.zeros((SC_L,), jnp.float32)
    for t in range(TPW):
        vs = [logits_v[t, pl.ds(j * SC_L, SC_L)] for j in range(NV)]
        iotas = [lane + SC_L * j for j in range(NV)]
        m = vs[0]
        for v in vs[1:]:
            m = jnp.maximum(m, v)
        l1 = jnp.max(m)
        i1 = jnp.int32(E)
        for v, io in zip(vs, iotas):
            i1 = jnp.minimum(i1, jnp.min(jnp.where(v == l1, io, E)))
        ws = [jnp.where(io == i1, _NEG, v) for v, io in zip(vs, iotas)]
        m2 = ws[0]
        for v in ws[1:]:
            m2 = jnp.maximum(m2, v)
        l2 = jnp.max(m2)
        i2 = jnp.int32(E)
        for v, io in zip(ws, iotas):
            i2 = jnp.minimum(i2, jnp.min(jnp.where(v == l2, io, E)))
        dv = jnp.full((SC_L,), l2 - l1, dtype=jnp.float32)
        s1v = 1.0 / (1.0 + jnp.exp(dv))
        acc = jnp.where(lane == 4 * t, jnp.full((SC_L,), i1.astype(jnp.float32)), acc)
        acc = jnp.where(lane == 4 * t + 1, jnp.full((SC_L,), i2.astype(jnp.float32)), acc)
        acc = jnp.where(lane == 4 * t + 2, s1v, acc)
        acc = jnp.where(lane == 4 * t + 3, 1.0 - s1v, acc)
    route_v[...] = acc
    pltpu.sync_copy(route_v, route_hbm.at[pl.ds(base * 4, SC_L)])


_routing_sc = pl.kernel(
    _routing_sc_kernel,
    out_type=jax.ShapeDtypeStruct((T * 4,), jnp.float32),
    mesh=plsc.VectorSubcoreMesh(core_axis_name="c", subcore_axis_name="s"),
    compiler_params=pltpu.CompilerParams(needs_layout_passes=False),
    scratch_types=[
        pltpu.VMEM((TPW, E), jnp.float32),
        pltpu.VMEM((SC_L,), jnp.float32),
    ],
)


def _moe_kernel(x_ref, route_ref,
                w1_hbm, w3_hbm, w2_hbm, out_ref,
                w1_buf, w3_buf, w2_buf, w1_sem, w3_sem, w2_sem):
    def _copies(g):
        slot = jax.lax.rem(g, NBUF)
        src = pl.ds(g * G, G)
        return (
            pltpu.make_async_copy(w1_hbm.at[src], w1_buf.at[slot], w1_sem.at[slot]),
            pltpu.make_async_copy(w3_hbm.at[src], w3_buf.at[slot], w3_sem.at[slot]),
            pltpu.make_async_copy(w2_hbm.at[src], w2_buf.at[slot], w2_sem.at[slot]),
        )

    def _issue(g):
        for c in _copies(g):
            c.start()

    for g in range(PF):
        _issue(g)

    out_ref[...] = jnp.zeros((T, D), jnp.float32)
    xb = x_ref[...]
    route = route_ref[...]
    i1c, i2c, s1c, s2c = (route[:, 0:1], route[:, 1:2],
                          route[:, 2:3], route[:, 3:4])

    def _body(g, carry):
        @pl.when(g + PF < NG)
        def _prefetch():
            _issue(g + PF)

        c1, c3, c2 = _copies(g)
        slot = jax.lax.rem(g, NBUF)
        c1.wait()
        gs = [jax.lax.dot_general(
                  xb, w1_buf[slot, sub], (((1,), (1,)), ((), ())),
                  preferred_element_type=jnp.float32) for sub in range(G)]
        c3.wait()
        hs = []
        for sub in range(G):
            u = jax.lax.dot_general(
                xb, w3_buf[slot, sub], (((1,), (1,)), ((), ())),
                preferred_element_type=jnp.float32)
            gg = gs[sub]
            h = (gg * jax.nn.sigmoid(gg)) * u
            e = g * G + sub
            ef = e.astype(jnp.float32)
            scale = (jnp.where(i1c == ef, s1c, 0.0)
                     + jnp.where(i2c == ef, s2c, 0.0))
            hs.append(h * scale)
        c2.wait()
        acc = None
        for sub in range(G):
            y = jax.lax.dot_general(
                hs[sub], w2_buf[slot, sub], (((1,), (1,)), ((), ())),
                preferred_element_type=jnp.float32)
            acc = y if acc is None else acc + y
        out_ref[...] += acc
        return carry

    jax.lax.fori_loop(0, NG, _body, 0, unroll=False)


@jax.jit
def kernel(x, router_logits, w1, w3, w2):
    route = _routing_sc(router_logits).reshape(T, 4)
    return pl.pallas_call(
        _moe_kernel,
        in_specs=[
            pl.BlockSpec((T, D), lambda: (0, 0)),
            pl.BlockSpec((T, 4), lambda: (0, 0)),
            pl.BlockSpec(memory_space=pltpu.MemorySpace.HBM),
            pl.BlockSpec(memory_space=pltpu.MemorySpace.HBM),
            pl.BlockSpec(memory_space=pltpu.MemorySpace.HBM),
        ],
        out_specs=pl.BlockSpec((T, D), lambda: (0, 0)),
        out_shape=jax.ShapeDtypeStruct((T, D), jnp.float32),
        scratch_shapes=[
            pltpu.VMEM((NBUF, G, F, D), jnp.float32),
            pltpu.VMEM((NBUF, G, F, D), jnp.float32),
            pltpu.VMEM((NBUF, G, D, F), jnp.float32),
            pltpu.SemaphoreType.DMA((NBUF,)),
            pltpu.SemaphoreType.DMA((NBUF,)),
            pltpu.SemaphoreType.DMA((NBUF,)),
        ],
        compiler_params=pltpu.CompilerParams(
            vmem_limit_bytes=60000 * 1024,
        ),
    )(x, route, w1, w3, w2)

# --- scband reference (transcript-rebuilt; emitter-appended) ---
"""Pipeline reference for scband-fused-mo-e-39831526703663 (READ-ONLY COPY).

The authoritative reference and input builder live on the scoring server;
editing this copy changes nothing except your own understanding.
"""

import jax, jax.numpy as jnp
import numpy as np

E = 64
K = 2
T = 128
D = 1024
F = 1024


def setup_inputs(seed: int = 0) -> dict:
    key = jax.random.key(seed)
    ks = jax.random.split(key, 5)
    x = jax.random.normal(ks[0], (T, D), dtype=jnp.float32)
    router_logits = jax.random.normal(ks[1], (T, E), dtype=jnp.float32)
    # expert weights: gate proj (w1), up proj (w3), down proj (w2), swiglu MLP per expert
    w1 = jax.random.normal(ks[2], (E, F, D), dtype=jnp.float32) * 0.02
    w3 = jax.random.normal(ks[3], (E, F, D), dtype=jnp.float32) * 0.02
    w2 = jax.random.normal(ks[4], (E, D, F), dtype=jnp.float32) * 0.02
    return {"x": x, "router_logits": router_logits, "w1": w1, "w3": w3, "w2": w2}


def reference(x, router_logits, w1, w3, w2):
    # routing: top-k over softmax, renormalize selected probabilities
    probs = jax.nn.softmax(router_logits, axis=-1)
    topv, topi = jax.lax.top_k(probs, K)  # token_selected_experts (int32), token scales
    token_final_scales = topv / jnp.sum(topv, axis=-1, keepdims=True)
    n_tok = x.shape[0]
    # scatter the per-token scales into a dense [tokens, experts] combine matrix
    combine = jnp.zeros((n_tok, E), dtype=x.dtype)
    combine = combine.at[jnp.arange(n_tok)[:, None], topi].add(token_final_scales)
    # expert MLPs: gemm1 (gate+up) + swiglu + gemm2, combined with routing scales
    out = jnp.zeros_like(x)
    for e in range(E):
        g = x @ w1[e].T
        u = x @ w3[e].T
        h = jax.nn.silu(g) * u
        y = h @ w2[e].T
        out = out + combine[:, e:e + 1] * y
    return out

if __name__ == "__main__":
    import jax
    _d = setup_inputs()
    print(jax.jit(kernel)(*tuple(_d.values())))

</pallas_src>

<mosaic_0001>
#map = affine_map<(d0, d1) -> (0, 0)>
#map1 = affine_map<(d0, d1) -> (0)>
module attributes {stable_mosaic.version = 14 : i64} {
  func.func @_routing_sc_kernel(%arg0: i32, %arg1: i32, %arg2: memref<128x64xf32, #tpu.memory_space<hbm>>, %arg3: memref<512xf32, #tpu.memory_space<hbm>>, %arg4: memref<4x64xf32, #tpu.memory_space<vmem>>, %arg5: memref<16xf32, #tpu.memory_space<vmem>>) attributes {dimension_semantics = [#tpu.dimension_semantics<core_parallel>, #tpu.dimension_semantics<subcore_parallel>], iteration_bounds = array<i64: 2, 16>, scalar_prefetch = 0 : i64, scratch_operands = 2 : i64, tpu.core_type = #tpu.core_type<sc_vector_subcore>, window_params = [{transform_indices = #map}, {transform_indices = #map1}]} {
    %mul3A = arith.constant 2 : i32
    %mul3A_0 = arith.muli %arg1, %mul3A : i32
    %add3A = arith.addi %mul3A_0, %arg0 : i32
    %mul3A_1 = arith.constant 4 : i32
    %mul3A_2 = arith.muli %add3A, %mul3A_1 : i32
    "tpu.region"() ({
      %run_scoped3A = tpu.sem_alloc : memref<!tpu.dma_semaphore, #tpu.memory_space<semaphore_mem>>
      %dma_start3A = arith.constant 0 : i32
      %dma_start3A_827 = tpu.memref_slice %arg2[%mul3A_2, %dma_start3A] : memref<128x64xf32, #tpu.memory_space<hbm>> -> memref<4x64xf32, #tpu.memory_space<hbm>>
      %dma_start3A_828 = arith.constant 0 : i32
      %dma_start3A_829 = tpu.memref_slice %arg2[%mul3A_2, %dma_start3A_828] : memref<128x64xf32, #tpu.memory_space<hbm>> -> memref<4x64xf32, #tpu.memory_space<hbm>>
      tpu.enqueue_dma source(%dma_start3A_829 : memref<4x64xf32, #tpu.memory_space<hbm>>) target(%arg4 : memref<4x64xf32, #tpu.memory_space<vmem>>) target_semaphore(%run_scoped3A : memref<!tpu.dma_semaphore, #tpu.memory_space<semaphore_mem>>)
      %dma_wait3A = arith.constant 0 : i32
      %dma_wait3A_830 = tpu.memref_slice %arg2[%mul3A_2, %dma_wait3A] : memref<128x64xf32, #tpu.memory_space<hbm>> -> memref<4x64xf32, #tpu.memory_space<hbm>>
      %dma_wait3A_831 = arith.constant 0 : i32
      %dma_wait3A_832 = tpu.memref_slice %arg2[%mul3A_2, %dma_wait3A_831] : memref<128x64xf32, #tpu.memory_space<hbm>> -> memref<4x64xf32, #tpu.memory_space<hbm>>
      tpu.wait_dma2 semaphore(%run_scoped3A : memref<!tpu.dma_semaphore, #tpu.memory_space<semaphore_mem>>) src(%dma_wait3A_832 : memref<4x64xf32, #tpu.memory_space<hbm>>) dst(%arg4 : memref<4x64xf32, #tpu.memory_space<vmem>>)
      tpu.yield
    }) : () -> ()
    %iota3A = tpu.iota {dimensions = array<i32: 0>} : vector<16xi32>
    %broadcast_in_dim3A = arith.constant 0.000000e+00 : f32
    %broadcast_in_dim3A_3 = vector.broadcast %broadcast_in_dim3A : f32 to vector<16xf32>
    %get3A = arith.constant 0 : i32
    %get3A_4 = arith.index_cast %get3A : i32 to index
    %get3A_5 = arith.constant 0 : index
    %get3A_6 = tpu.vector_load %arg4[%get3A_4, %get3A_5] {strides = array<i32>} : memref<4x64xf32, #tpu.memory_space<vmem>>, vector<16xf32>,
    %get3A_7 = arith.constant 0 : i32
    %get3A_8 = arith.index_cast %get3A_7 : i32 to index
    %get3A_9 = arith.constant 16 : index
    %get3A_10 = tpu.vector_load %arg4[%get3A_8, %get3A_9] {strides = array<i32>} : memref<4x64xf32, #tpu.memory_space<vmem>>, vector<16xf32>,
    %get3A_11 = arith.constant 0 : i32
    %get3A_12 = arith.index_cast %get3A_11 : i32 to index
    %get3A_13 = arith.constant 32 : index
    %get3A_14 = tpu.vector_load %arg4[%get3A_12, %get3A_13] {strides = array<i32>} : memref<4x64xf32, #tpu.memory_space<vmem>>, vector<16xf32>,
    %get3A_15 = arith.constant 0 : i32
    %get3A_16 = arith.index_cast %get3A_15 : i32 to index
    %get3A_17 = arith.constant 48 : index
    %get3A_18 = tpu.vector_load %arg4[%get3A_16, %get3A_17] {strides = array<i32>} : memref<4x64xf32, #tpu.memory_space<vmem>>, vector<16xf32>,
    %add3A_19 = arith.constant 0 : i32
    %add3A_20 = vector.broadcast %add3A_19 : i32 to vector<16xi32>
    %add3A_21 = arith.addi %iota3A, %add3A_20 : vector<16xi32>
    %add3A_22 = arith.constant 16 : i32
    %add3A_23 = vector.broadcast %add3A_22 : i32 to vector<16xi32>
    %add3A_24 = arith.addi %iota3A, %add3A_23 : vector<16xi32>
    %add3A_25 = arith.constant 32 : i32
    %add3A_26 = vector.broadcast %add3A_25 : i32 to vector<16xi32>
    %add3A_27 = arith.addi %iota3A, %add3A_26 : vector<16xi32>
    %add3A_28 = arith.constant 48 : i32
    %add3A_29 = vector.broadcast %add3A_28 : i32 to vector<16xi32>
    %add3A_30 = arith.addi %iota3A, %add3A_29 : vector<16xi32>
    %max3A = arith.maximumf %get3A_6, %get3A_10 : vector<16xf32>
    %max3A_31 = arith.maximumf %max3A, %get3A_14 : vector<16xf32>
    %max3A_32 = arith.maximumf %max3A_31, %get3A_18 : vector<16xf32>
    %reduce_max3A = arith.constant true
    %reduce_max3A_33 = vector.broadcast %reduce_max3A : i1 to vector<16xi1>
    %reduce_max3A_34 = tpu.scan <max>, %max3A_32 masked %reduce_max3A_33 : vector<16xf32>, vector<16xi1> -> vector<16xf32>
    %reduce_max3A_35 = vector.extract %reduce_max3A_34[15] : f32 from vector<16xf32>
    %eq3A = vector.broadcast %reduce_max3A_35 : f32 to vector<16xf32>
    %eq3A_36 = arith.cmpf oeq, %get3A_6, %eq3A : vector<16xf32>
    %jit3A = arith.constant 64 : i32
    %broadcast_in_dim3A_37 = vector.broadcast %jit3A : i32 to vector<16xi32>
    %select_n3A = arith.select %eq3A_36, %add3A_21, %broadcast_in_dim3A_37 : vector<16xi1>, vector<16xi32>
    %reduce_min3A = arith.constant true
    %reduce_min3A_38 = vector.broadcast %reduce_min3A : i1 to vector<16xi1>
    %reduce_min3A_39 = arith.constant -2147483648 : i32
    %reduce_min3A_40 = vector.broadcast %reduce_min3A_39 : i32 to vector<16xi32>
    %reduce_min3A_41 = arith.xori %select_n3A, %reduce_min3A_40 : vector<16xi32>
    %reduce_min3A_42 = tpu.scan <min>, %reduce_min3A_41 masked %reduce_min3A_38 : vector<16xi32>, vector<16xi1> -> vector<16xi32>
    %reduce_min3A_43 = arith.xori %reduce_min3A_42, %reduce_min3A_40 : vector<16xi32>
    %reduce_min3A_44 = vector.extract %reduce_min3A_43[15] : i32 from vector<16xi32>
    %min3A = arith.constant 64 : i32
    %min3A_45 = arith.minsi %min3A, %reduce_min3A_44 : i32
    %eq3A_46 = vector.broadcast %reduce_max3A_35 : f32 to vector<16xf32>
    %eq3A_47 = arith.cmpf oeq, %get3A_10, %eq3A_46 : vector<16xf32>
    %jit3A_48 = arith.constant 64 : i32
    %broadcast_in_dim3A_49 = vector.broadcast %jit3A_48 : i32 to vector<16xi32>
    %select_n3A_50 = arith.select %eq3A_47, %add3A_24, %broadcast_in_dim3A_49 : vector<16xi1>, vector<16xi32>
    %reduce_min3A_51 = arith.constant true
    %reduce_min3A_52 = vector.broadcast %reduce_min3A_51 : i1 to vector<16xi1>
    %reduce_min3A_53 = arith.constant -2147483648 : i32
    %reduce_min3A_54 = vector.broadcast %reduce_min3A_53 : i32 to vector<16xi32>
    %reduce_min3A_55 = arith.xori %select_n3A_50, %reduce_min3A_54 : vector<16xi32>
    %reduce_min3A_56 = tpu.scan <min>, %reduce_min3A_55 masked %reduce_min3A_52 : vector<16xi32>, vector<16xi1> -> vector<16xi32>
    %reduce_min3A_57 = arith.xori %reduce_min3A_56, %reduce_min3A_54 : vector<16xi32>
    %reduce_min3A_58 = vector.extract %reduce_min3A_57[15] : i32 from vector<16xi32>
    %min3A_59 = arith.minsi %min3A_45, %reduce_min3A_58 : i32
    %eq3A_60 = vector.broadcast %reduce_max3A_35 : f32 to vector<16xf32>
    %eq3A_61 = arith.cmpf oeq, %get3A_14, %eq3A_60 : vector<16xf32>
    %jit3A_62 = arith.constant 64 : i32
    %broadcast_in_dim3A_63 = vector.broadcast %jit3A_62 : i32 to vector<16xi32>
    %select_n3A_64 = arith.select %eq3A_61, %add3A_27, %broadcast_in_dim3A_63 : vector<16xi1>, vector<16xi32>
    %reduce_min3A_65 = arith.constant true
    %reduce_min3A_66 = vector.broadcast %reduce_min3A_65 : i1 to vector<16xi1>
    %reduce_min3A_67 = arith.constant -2147483648 : i32
    %reduce_min3A_68 = vector.broadcast %reduce_min3A_67 : i32 to vector<16xi32>
    %reduce_min3A_69 = arith.xori %select_n3A_64, %reduce_min3A_68 : vector<16xi32>
    %reduce_min3A_70 = tpu.scan <min>, %reduce_min3A_69 masked %reduce_min3A_66 : vector<16xi32>, vector<16xi1> -> vector<16xi32>
    %reduce_min3A_71 = arith.xori %reduce_min3A_70, %reduce_min3A_68 : vector<16xi32>
    %reduce_min3A_72 = vector.extract %reduce_min3A_71[15] : i32 from vector<16xi32>
    %min3A_73 = arith.minsi %min3A_59, %reduce_min3A_72 : i32
    %eq3A_74 = vector.broadcast %reduce_max3A_35 : f32 to vector<16xf32>
    %eq3A_75 = arith.cmpf oeq, %get3A_18, %eq3A_74 : vector<16xf32>
    %jit3A_76 = arith.constant 64 : i32
    %broadcast_in_dim3A_77 = vector.broadcast %jit3A_76 : i32 to vector<16xi32>
    %select_n3A_78 = arith.select %eq3A_75, %add3A_30, %broadcast_in_dim3A_77 : vector<16xi1>, vector<16xi32>
    %reduce_min3A_79 = arith.constant true
    %reduce_min3A_80 = vector.broadcast %reduce_min3A_79 : i1 to vector<16xi1>
    %reduce_min3A_81 = arith.constant -2147483648 : i32
    %reduce_min3A_82 = vector.broadcast %reduce_min3A_81 : i32 to vector<16xi32>
    %reduce_min3A_83 = arith.xori %select_n3A_78, %reduce_min3A_82 : vector<16xi32>
    %reduce_min3A_84 = tpu.scan <min>, %reduce_min3A_83 masked %reduce_min3A_80 : vector<16xi32>, vector<16xi1> -> vector<16xi32>
    %reduce_min3A_85 = arith.xori %reduce_min3A_84, %reduce_min3A_82 : vector<16xi32>
    %reduce_min3A_86 = vector.extract %reduce_min3A_85[15] : i32 from vector<16xi32>
    %min3A_87 = arith.minsi %min3A_73, %reduce_min3A_86 : i32
    %eq3A_88 = vector.broadcast %min3A_87 : i32 to vector<16xi32>
    %eq3A_89 = arith.cmpi eq, %add3A_21, %eq3A_88 : vector<16xi32>
    %jit3A_90 = arith.constant -3.40282347E+38 : f32
    %broadcast_in_dim3A_91 = vector.broadcast %jit3A_90 : f32 to vector<16xf32>
    %select_n3A_92 = arith.select %eq3A_89, %broadcast_in_dim3A_91, %get3A_6 : vector<16xi1>, vector<16xf32>
    %eq3A_93 = vector.broadcast %min3A_87 : i32 to vector<16xi32>
    %eq3A_94 = arith.cmpi eq, %add3A_24, %eq3A_93 : vector<16xi32>
    %jit3A_95 = arith.constant -3.40282347E+38 : f32
    %broadcast_in_dim3A_96 = vector.broadcast %jit3A_95 : f32 to vector<16xf32>
    %select_n3A_97 = arith.select %eq3A_94, %broadcast_in_dim3A_96, %get3A_10 : vector<16xi1>, vector<16xf32>
    %eq3A_98 = vector.broadcast %min3A_87 : i32 to vector<16xi32>
    %eq3A_99 = arith.cmpi eq, %add3A_27, %eq3A_98 : vector<16xi32>
    %jit3A_100 = arith.constant -3.40282347E+38 : f32
    %broadcast_in_dim3A_101 = vector.broadcast %jit3A_100 : f32 to vector<16xf32>
    %select_n3A_102 = arith.select %eq3A_99, %broadcast_in_dim3A_101, %get3A_14 : vector<16xi1>, vector<16xf32>
    %eq3A_103 = vector.broadcast %min3A_87 : i32 to vector<16xi32>
    %eq3A_104 = arith.cmpi eq, %add3A_30, %eq3A_103 : vector<16xi32>
    %jit3A_105 = arith.constant -3.40282347E+38 : f32
    %broadcast_in_dim3A_106 = vector.broadcast %jit3A_105 : f32 to vector<16xf32>
    %select_n3A_107 = arith.select %eq3A_104, %broadcast_in_dim3A_106, %get3A_18 : vector<16xi1>, vector<16xf32>
    %max3A_108 = arith.maximumf %select_n3A_92, %select_n3A_97 : vector<16xf32>
    %max3A_109 = arith.maximumf %max3A_108, %select_n3A_102 : vector<16xf32>
    %max3A_110 = arith.maximumf %max3A_109, %select_n3A_107 : vector<16xf32>
    %reduce_max3A_111 = arith.constant true
    %reduce_max3A_112 = vector.broadcast %reduce_max3A_111 : i1 to vector<16xi1>
    %reduce_max3A_113 = tpu.scan <max>, %max3A_110 masked %reduce_max3A_112 : vector<16xf32>, vector<16xi1> -> vector<16xf32>
    %reduce_max3A_114 = vector.extract %reduce_max3A_113[15] : f32 from vector<16xf32>
    %eq3A_115 = vector.broadcast %reduce_max3A_114 : f32 to vector<16xf32>
    %eq3A_116 = arith.cmpf oeq, %select_n3A_92, %eq3A_115 : vector<16xf32>
    %jit3A_117 = arith.constant 64 : i32
    %broadcast_in_dim3A_118 = vector.broadcast %jit3A_117 : i32 to vector<16xi32>
    %select_n3A_119 = arith.select %eq3A_116, %add3A_21, %broadcast_in_dim3A_118 : vector<16xi1>, vector<16xi32>
    %reduce_min3A_120 = arith.constant true
    %reduce_min3A_121 = vector.broadcast %reduce_min3A_120 : i1 to vector<16xi1>
    %reduce_min3A_122 = arith.constant -2147483648 : i32
    %reduce_min3A_123 = vector.broadcast %reduce_min3A_122 : i32 to vector<16xi32>
    %reduce_min3A_124 = arith.xori %select_n3A_119, %reduce_min3A_123 : vector<16xi32>
    %reduce_min3A_125 = tpu.scan <min>, %reduce_min3A_124 masked %reduce_min3A_121 : vector<16xi32>, vector<16xi1> -> vector<16xi32>
    %reduce_min3A_126 = arith.xori %reduce_min3A_125, %reduce_min3A_123 : vector<16xi32>
    %reduce_min3A_127 = vector.extract %reduce_min3A_126[15] : i32 from vector<16xi32>
    %min3A_128 = arith.constant 64 : i32
    %min3A_129 = arith.minsi %min3A_128, %reduce_min3A_127 : i32
    %eq3A_130 = vector.broadcast %reduce_max3A_114 : f32 to vector<16xf32>
    %eq3A_131 = arith.cmpf oeq, %select_n3A_97, %eq3A_130 : vector<16xf32>
    %jit3A_132 = arith.constant 64 : i32
    %broadcast_in_dim3A_133 = vector.broadcast %jit3A_132 : i32 to vector<16xi32>
    %select_n3A_134 = arith.select %eq3A_131, %add3A_24, %broadcast_in_dim3A_133 : vector<16xi1>, vector<16xi32>
    %reduce_min3A_135 = arith.constant true
    %reduce_min3A_136 = vector.broadcast %reduce_min3A_135 : i1 to vector<16xi1>
    %reduce_min3A_137 = arith.constant -2147483648 : i32
    %reduce_min3A_138 = vector.broadcast %reduce_min3A_137 : i32 to vector<16xi32>
    %reduce_min3A_139 = arith.xori %select_n3A_134, %reduce_min3A_138 : vector<16xi32>
    %reduce_min3A_140 = tpu.scan <min>, %reduce_min3A_139 masked %reduce_min3A_136 : vector<16xi32>, vector<16xi1> -> vector<16xi32>
    %reduce_min3A_141 = arith.xori %reduce_min3A_140, %reduce_min3A_138 : vector<16xi32>
    %reduce_min3A_142 = vector.extract %reduce_min3A_141[15] : i32 from vector<16xi32>
    %min3A_143 = arith.minsi %min3A_129, %reduce_min3A_142 : i32
    %eq3A_144 = vector.broadcast %reduce_max3A_114 : f32 to vector<16xf32>
    %eq3A_145 = arith.cmpf oeq, %select_n3A_102, %eq3A_144 : vector<16xf32>
    %jit3A_146 = arith.constant 64 : i32
    %broadcast_in_dim3A_147 = vector.broadcast %jit3A_146 : i32 to vector<16xi32>
    %select_n3A_148 = arith.select %eq3A_145, %add3A_27, %broadcast_in_dim3A_147 : vector<16xi1>, vector<16xi32>
    %reduce_min3A_149 = arith.constant true
    %reduce_min3A_150 = vector.broadcast %reduce_min3A_149 : i1 to vector<16xi1>
    %reduce_min3A_151 = arith.constant -2147483648 : i32
    %reduce_min3A_152 = vector.broadcast %reduce_min3A_151 : i32 to vector<16xi32>
    %reduce_min3A_153 = arith.xori %select_n3A_148, %reduce_min3A_152 : vector<16xi32>
    %reduce_min3A_154 = tpu.scan <min>, %reduce_min3A_153 masked %reduce_min3A_150 : vector<16xi32>, vector<16xi1> -> vector<16xi32>
    %reduce_min3A_155 = arith.xori %reduce_min3A_154, %reduce_min3A_152 : vector<16xi32>
    %reduce_min3A_156 = vector.extract %reduce_min3A_155[15] : i32 from vector<16xi32>
    %min3A_157 = arith.minsi %min3A_143, %reduce_min3A_156 : i32
    %eq3A_158 = vector.broadcast %reduce_max3A_114 : f32 to vector<16xf32>
    %eq3A_159 = arith.cmpf oeq, %select_n3A_107, %eq3A_158 : vector<16xf32>
    %jit3A_160 = arith.constant 64 : i32
    %broadcast_in_dim3A_161 = vector.broadcast %jit3A_160 : i32 to vector<16xi32>
    %select_n3A_162 = arith.select %eq3A_159, %add3A_30, %broadcast_in_dim3A_161 : vector<16xi1>, vector<16xi32>
    %reduce_min3A_163 = arith.constant true
    %reduce_min3A_164 = vector.broadcast %reduce_min3A_163 : i1 to vector<16xi1>
    %reduce_min3A_165 = arith.constant -2147483648 : i32
    %reduce_min3A_166 = vector.broadcast %reduce_min3A_165 : i32 to vector<16xi32>
    %reduce_min3A_167 = arith.xori %select_n3A_162, %reduce_min3A_166 : vector<16xi32>
    %reduce_min3A_168 = tpu.scan <min>, %reduce_min3A_167 masked %reduce_min3A_164 : vector<16xi32>, vector<16xi1> -> vector<16xi32>
    %reduce_min3A_169 = arith.xori %reduce_min3A_168, %reduce_min3A_166 : vector<16xi32>
    %reduce_min3A_170 = vector.extract %reduce_min3A_169[15] : i32 from vector<16xi32>
    %min3A_171 = arith.minsi %min3A_157, %reduce_min3A_170 : i32
    %sub3A = arith.subf %reduce_max3A_114, %reduce_max3A_35 : f32
    %broadcast_in_dim3A_172 = vector.broadcast %sub3A : f32 to vector<16xf32>
    %exp3A = math.exp %broadcast_in_dim3A_172 : vector<16xf32>
    %add3A_173 = arith.constant 1.000000e+00 : f32
    %add3A_174 = vector.broadcast %add3A_173 : f32 to vector<16xf32>
    %add3A_175 = arith.addf %add3A_174, %exp3A : vector<16xf32>
    %div3A = arith.constant 1.000000e+00 : f32
    %div3A_176 = vector.broadcast %div3A : f32 to vector<16xf32>
    %div3A_177 = arith.divf %div3A_176, %add3A_175 : vector<16xf32>
    %eq3A_178 = arith.constant 0 : i32
    %eq3A_179 = vector.broadcast %eq3A_178 : i32 to vector<16xi32>
    %eq3A_180 = arith.cmpi eq, %iota3A, %eq3A_179 : vector<16xi32>
    %convert_element_type3A = arith.sitofp %min3A_87 : i32 to f32
    %broadcast_in_dim3A_181 = vector.broadcast %convert_element_type3A : f32 to vector<16xf32>
    %select_n3A_182 = arith.select %eq3A_180, %broadcast_in_dim3A_181, %broadcast_in_dim3A_3 : vector<16xi1>, vector<16xf32>
    %eq3A_183 = arith.constant 1 : i32
    %eq3A_184 = vector.broadcast %eq3A_183 : i32 to vector<16xi32>
    %eq3A_185 = arith.cmpi eq, %iota3A, %eq3A_184 : vector<16xi32>
    %convert_element_type3A_186 = arith.sitofp %min3A_171 : i32 to f32
    %broadcast_in_dim3A_187 = vector.broadcast %convert_element_type3A_186 : f32 to vector<16xf32>
    %select_n3A_188 = arith.select %eq3A_185, %broadcast_in_dim3A_187, %select_n3A_182 : vector<16xi1>, vector<16xf32>
    %eq3A_189 = arith.constant 2 : i32
    %eq3A_190 = vector.broadcast %eq3A_189 : i32 to vector<16xi32>
    %eq3A_191 = arith.cmpi eq, %iota3A, %eq3A_190 : vector<16xi32>
    %select_n3A_192 = arith.select %eq3A_191, %div3A_177, %select_n3A_188 : vector<16xi1>, vector<16xf32>
    %eq3A_193 = arith.constant 3 : i32
    %eq3A_194 = vector.broadcast %eq3A_193 : i32 to vector<16xi32>
    %eq3A_195 = arith.cmpi eq, %iota3A, %eq3A_194 : vector<16xi32>
    %sub3A_196 = arith.constant 1.000000e+00 : f32
    %sub3A_197 = vector.broadcast %sub3A_196 : f32 to vector<16xf32>
    %sub3A_198 = arith.subf %sub3A_197, %div3A_177 : vector<16xf32>
    %select_n3A_199 = arith.select %eq3A_195, %sub3A_198, %select_n3A_192 : vector<16xi1>, vector<16xf32>
    %get3A_200 = arith.constant 1 : i32
    %get3A_201 = arith.index_cast %get3A_200 : i32 to index
    %get3A_202 = arith.constant 0 : index
    %get3A_203 = tpu.vector_load %arg4[%get3A_201, %get3A_202] {strides = array<i32>} : memref<4x64xf32, #tpu.memory_space<vmem>>, vector<16xf32>,
    %get3A_204 = arith.constant 1 : i32
    %get3A_205 = arith.index_cast %get3A_204 : i32 to index
    %get3A_206 = arith.constant 16 : index
    %get3A_207 = tpu.vector_load %arg4[%get3A_205, %get3A_206] {strides = array<i32>} : memref<4x64xf32, #tpu.memory_space<vmem>>, vector<16xf32>,
    %get3A_208 = arith.constant 1 : i32
    %get3A_209 = arith.index_cast %get3A_208 : i32 to index
    %get3A_210 = arith.constant 32 : index
    %get3A_211 = tpu.vector_load %arg4[%get3A_209, %get3A_210] {strides = array<i32>} : memref<4x64xf32, #tpu.memory_space<vmem>>, vector<16xf32>,
    %get3A_212 = arith.constant 1 : i32
    %get3A_213 = arith.index_cast %get3A_212 : i32 to index
    %get3A_214 = arith.constant 48 : index
    %get3A_215 = tpu.vector_load %arg4[%get3A_213, %get3A_214] {strides = array<i32>} : memref<4x64xf32, #tpu.memory_space<vmem>>, vector<16xf32>,
    %add3A_216 = arith.constant 0 : i32
    %add3A_217 = vector.broadcast %add3A_216 : i32 to vector<16xi32>
    %add3A_218 = arith.addi %iota3A, %add3A_217 : vector<16xi32>
    %add3A_219 = arith.constant 16 : i32
    %add3A_220 = vector.broadcast %add3A_219 : i32 to vector<16xi32>
    %add3A_221 = arith.addi %iota3A, %add3A_220 : vector<16xi32>
    %add3A_222 = arith.constant 32 : i32
    %add3A_223 = vector.broadcast %add3A_222 : i32 to vector<16xi32>
    %add3A_224 = arith.addi %iota3A, %add3A_223 : vector<16xi32>
    %add3A_225 = arith.constant 48 : i32
    %add3A_226 = vector.broadcast %add3A_225 : i32 to vector<16xi32>
    %add3A_227 = arith.addi %iota3A, %add3A_226 : vector<16xi32>
    %max3A_228 = arith.maximumf %get3A_203, %get3A_207 : vector<16xf32>
    %max3A_229 = arith.maximumf %max3A_228, %get3A_211 : vector<16xf32>
    %max3A_230 = arith.maximumf %max3A_229, %get3A_215 : vector<16xf32>
    %reduce_max3A_231 = arith.constant true
    %reduce_max3A_232 = vector.broadcast %reduce_max3A_231 : i1 to vector<16xi1>
    %reduce_max3A_233 = tpu.scan <max>, %max3A_230 masked %reduce_max3A_232 : vector<16xf32>, vector<16xi1> -> vector<16xf32>
    %reduce_max3A_234 = vector.extract %reduce_max3A_233[15] : f32 from vector<16xf32>
    %eq3A_235 = vector.broadcast %reduce_max3A_234 : f32 to vector<16xf32>
    %eq3A_236 = arith.cmpf oeq, %get3A_203, %eq3A_235 : vector<16xf32>
    %jit3A_237 = arith.constant 64 : i32
    %broadcast_in_dim3A_238 = vector.broadcast %jit3A_237 : i32 to vector<16xi32>
    %select_n3A_239 = arith.select %eq3A_236, %add3A_218, %broadcast_in_dim3A_238 : vector<16xi1>, vector<16xi32>
    %reduce_min3A_240 = arith.constant true
    %reduce_min3A_241 = vector.broadcast %reduce_min3A_240 : i1 to vector<16xi1>
    %reduce_min3A_242 = arith.constant -2147483648 : i32
    %reduce_min3A_243 = vector.broadcast %reduce_min3A_242 : i32 to vector<16xi32>
    %reduce_min3A_244 = arith.xori %select_n3A_239, %reduce_min3A_243 : vector<16xi32>
    %reduce_min3A_245 = tpu.scan <min>, %reduce_min3A_244 masked %reduce_min3A_241 : vector<16xi32>, vector<16xi1> -> vector<16xi32>
    %reduce_min3A_246 = arith.xori %reduce_min3A_245, %reduce_min3A_243 : vector<16xi32>
    %reduce_min3A_247 = vector.extract %reduce_min3A_246[15] : i32 from vector<16xi32>
    %min3A_248 = arith.constant 64 : i32
    %min3A_249 = arith.minsi %min3A_248, %reduce_min3A_247 : i32
    %eq3A_250 = vector.broadcast %reduce_max3A_234 : f32 to vector<16xf32>
    %eq3A_251 = arith.cmpf oeq, %get3A_207, %eq3A_250 : vector<16xf32>
    %jit3A_252 = arith.constant 64 : i32
    %broadcast_in_dim3A_253 = vector.broadcast %jit3A_252 : i32 to vector<16xi32>
    %select_n3A_254 = arith.select %eq3A_251, %add3A_221, %broadcast_in_dim3A_253 : vector<16xi1>, vector<16xi32>
    %reduce_min3A_255 = arith.constant true
    %reduce_min3A_256 = vector.broadcast %reduce_min3A_255 : i1 to vector<16xi1>
    %reduce_min3A_257 = arith.constant -2147483648 : i32
    %reduce_min3A_258 = vector.broadcast %reduce_min3A_257 : i32 to vector<16xi32>
    %reduce_min3A_259 = arith.xori %select_n3A_254, %reduce_min3A_258 : vector<16xi32>
    %reduce_min3A_260 = tpu.scan <min>, %reduce_min3A_259 masked %reduce_min3A_256 : vector<16xi32>, vector<16xi1> -> vector<16xi32>
    %reduce_min3A_261 = arith.xori %reduce_min3A_260, %reduce_min3A_258 : vector<16xi32>
    %reduce_min3A_262 = vector.extract %reduce_min3A_261[15] : i32 from vector<16xi32>
    %min3A_263 = arith.minsi %min3A_249, %reduce_min3A_262 : i32
    %eq3A_264 = vector.broadcast %reduce_max3A_234 : f32 to vector<16xf32>
    %eq3A_265 = arith.cmpf oeq, %get3A_211, %eq3A_264 : vector<16xf32>
    %jit3A_266 = arith.constant 64 : i32
    %broadcast_in_dim3A_267 = vector.broadcast %jit3A_266 : i32 to vector<16xi32>
    %select_n3A_268 = arith.select %eq3A_265, %add3A_224, %broadcast_in_dim3A_267 : vector<16xi1>, vector<16xi32>
    %reduce_min3A_269 = arith.constant true
    %reduce_min3A_270 = vector.broadcast %reduce_min3A_269 : i1 to vector<16xi1>
    %reduce_min3A_271 = arith.constant -2147483648 : i32
    %reduce_min3A_272 = vector.broadcast %reduce_min3A_271 : i32 to vector<16xi32>
    %reduce_min3A_273 = arith.xori %select_n3A_268, %reduce_min3A_272 : vector<16xi32>
    %reduce_min3A_274 = tpu.scan <min>, %reduce_min3A_273 masked %reduce_min3A_270 : vector<16xi32>, vector<16xi1> -> vector<16xi32>
    %reduce_min3A_275 = arith.xori %reduce_min3A_274, %reduce_min3A_272 : vector<16xi32>
    %reduce_min3A_276 = vector.extract %reduce_min3A_275[15] : i32 from vector<16xi32>
    %min3A_277 = arith.minsi %min3A_263, %reduce_min3A_276 : i32
    %eq3A_278 = vector.broadcast %reduce_max3A_234 : f32 to vector<16xf32>
    %eq3A_279 = arith.cmpf oeq, %get3A_215, %eq3A_278 : vector<16xf32>
    %jit3A_280 = arith.constant 64 : i32
    %broadcast_in_dim3A_281 = vector.broadcast %jit3A_280 : i32 to vector<16xi32>
    %select_n3A_282 = arith.select %eq3A_279, %add3A_227, %broadcast_in_dim3A_281 : vector<16xi1>, vector<16xi32>
    %reduce_min3A_283 = arith.constant true
    %reduce_min3A_284 = vector.broadcast %reduce_min3A_283 : i1 to vector<16xi1>
    %reduce_min3A_285 = arith.constant -2147483648 : i32
    %reduce_min3A_286 = vector.broadcast %reduce_min3A_285 : i32 to vector<16xi32>
    %reduce_min3A_287 = arith.xori %select_n3A_282, %reduce_min3A_286 : vector<16xi32>
    %reduce_min3A_288 = tpu.scan <min>, %reduce_min3A_287 masked %reduce_min3A_284 : vector<16xi32>, vector<16xi1> -> vector<16xi32>
    %reduce_min3A_289 = arith.xori %reduce_min3A_288, %reduce_min3A_286 : vector<16xi32>
    %reduce_min3A_290 = vector.extract %reduce_min3A_289[15] : i32 from vector<16xi32>
    %min3A_291 = arith.minsi %min3A_277, %reduce_min3A_290 : i32
    %eq3A_292 = vector.broadcast %min3A_291 : i32 to vector<16xi32>
    %eq3A_293 = arith.cmpi eq, %add3A_218, %eq3A_292 : vector<16xi32>
    %jit3A_294 = arith.constant -3.40282347E+38 : f32
    %broadcast_in_dim3A_295 = vector.broadcast %jit3A_294 : f32 to vector<16xf32>
    %select_n3A_296 = arith.select %eq3A_293, %broadcast_in_dim3A_295, %get3A_203 : vector<16xi1>, vector<16xf32>
    %eq3A_297 = vector.broadcast %min3A_291 : i32 to vector<16xi32>
    %eq3A_298 = arith.cmpi eq, %add3A_221, %eq3A_297 : vector<16xi32>
    %jit3A_299 = arith.constant -3.40282347E+38 : f32
    %broadcast_in_dim3A_300 = vector.broadcast %jit3A_299 : f32 to vector<16xf32>
    %select_n3A_301 = arith.select %eq3A_298, %broadcast_in_dim3A_300, %get3A_207 : vector<16xi1>, vector<16xf32>
    %eq3A_302 = vector.broadcast %min3A_291 : i32 to vector<16xi32>
    %eq3A_303 = arith.cmpi eq, %add3A_224, %eq3A_302 : vector<16xi32>
    %jit3A_304 = arith.constant -3.40282347E+38 : f32
    %broadcast_in_dim3A_305 = vector.broadcast %jit3A_304 : f32 to vector<16xf32>
    %select_n3A_306 = arith.select %eq3A_303, %broadcast_in_dim3A_305, %get3A_211 : vector<16xi1>, vector<16xf32>
    %eq3A_307 = vector.broadcast %min3A_291 : i32 to vector<16xi32>
    %eq3A_308 = arith.cmpi eq, %add3A_227, %eq3A_307 : vector<16xi32>
    %jit3A_309 = arith.constant -3.40282347E+38 : f32
    %broadcast_in_dim3A_310 = vector.broadcast %jit3A_309 : f32 to vector<16xf32>
    %select_n3A_311 = arith.select %eq3A_308, %broadcast_in_dim3A_310, %get3A_215 : vector<16xi1>, vector<16xf32>
    %max3A_312 = arith.maximumf %select_n3A_296, %select_n3A_301 : vector<16xf32>
    %max3A_313 = arith.maximumf %max3A_312, %select_n3A_306 : vector<16xf32>
    %max3A_314 = arith.maximumf %max3A_313, %select_n3A_311 : vector<16xf32>
    %reduce_max3A_315 = arith.constant true
    %reduce_max3A_316 = vector.broadcast %reduce_max3A_315 : i1 to vector<16xi1>
    %reduce_max3A_317 = tpu.scan <max>, %max3A_314 masked %reduce_max3A_316 : vector<16xf32>, vector<16xi1> -> vector<16xf32>
    %reduce_max3A_318 = vector.extract %reduce_max3A_317[15] : f32 from vector<16xf32>
    %eq3A_319 = vector.broadcast %reduce_max3A_318 : f32 to vector<16xf32>
    %eq3A_320 = arith.cmpf oeq, %select_n3A_296, %eq3A_319 : vector<16xf32>
    %jit3A_321 = arith.constant 64 : i32
    %broadcast_in_dim3A_322 = vector.broadcast %jit3A_321 : i32 to vector<16xi32>
    %select_n3A_323 = arith.select %eq3A_320, %add3A_218, %broadcast_in_dim3A_322 : vector<16xi1>, vector<16xi32>
    %reduce_min3A_324 = arith.constant true
    %reduce_min3A_325 = vector.broadcast %reduce_min3A_324 : i1 to vector<16xi1>
    %reduce_min3A_326 = arith.constant -2147483648 : i32
    %reduce_min3A_327 = vector.broadcast %reduce_min3A_326 : i32 to vector<16xi32>
    %reduce_min3A_328 = arith.xori %select_n3A_323, %reduce_min3A_327 : vector<16xi32>
    %reduce_min3A_329 = tpu.scan <min>, %reduce_min3A_328 masked %reduce_min3A_325 : vector<16xi32>, vector<16xi1> -> vector<16xi32>
    %reduce_min3A_330 = arith.xori %reduce_min3A_329, %reduce_min3A_327 : vector<16xi32>
    %reduce_min3A_331 = vector.extract %reduce_min3A_330[15] : i32 from vector<16xi32>
    %min3A_332 = arith.constant 64 : i32
    %min3A_333 = arith.minsi %min3A_332, %reduce_min3A_331 : i32
    %eq3A_334 = vector.broadcast %reduce_max3A_318 : f32 to vector<16xf32>
    %eq3A_335 = arith.cmpf oeq, %select_n3A_301, %eq3A_334 : vector<16xf32>
    %jit3A_336 = arith.constant 64 : i32
    %broadcast_in_dim3A_337 = vector.broadcast %jit3A_336 : i32 to vector<16xi32>
    %select_n3A_338 = arith.select %eq3A_335, %add3A_221, %broadcast_in_dim3A_337 : vector<16xi1>, vector<16xi32>
    %reduce_min3A_339 = arith.constant true
    %reduce_min3A_340 = vector.broadcast %reduce_min3A_339 : i1 to vector<16xi1>
    %reduce_min3A_341 = arith.constant -2147483648 : i32
    %reduce_min3A_342 = vector.broadcast %reduce_min3A_341 : i32 to vector<16xi32>
    %reduce_min3A_343 = arith.xori %select_n3A_338, %reduce_min3A_342 : vector<16xi32>
    %reduce_min3A_344 = tpu.scan <min>, %reduce_min3A_343 masked %reduce_min3A_340 : vector<16xi32>, vector<16xi1> -> vector<16xi32>
    %reduce_min3A_345 = arith.xori %reduce_min3A_344, %reduce_min3A_342 : vector<16xi32>
    %reduce_min3A_346 = vector.extract %reduce_min3A_345[15] : i32 from vector<16xi32>
    %min3A_347 = arith.minsi %min3A_333, %reduce_min3A_346 : i32
    %eq3A_348 = vector.broadcast %reduce_max3A_318 : f32 to vector<16xf32>
    %eq3A_349 = arith.cmpf oeq, %select_n3A_306, %eq3A_348 : vector<16xf32>
    %jit3A_350 = arith.constant 64 : i32
    %broadcast_in_dim3A_351 = vector.broadcast %jit3A_350 : i32 to vector<16xi32>
    %select_n3A_352 = arith.select %eq3A_349, %add3A_224, %broadcast_in_dim3A_351 : vector<16xi1>, vector<16xi32>
    %reduce_min3A_353 = arith.constant true
    %reduce_min3A_354 = vector.broadcast %reduce_min3A_353 : i1 to vector<16xi1>
    %reduce_min3A_355 = arith.constant -2147483648 : i32
    %reduce_min3A_356 = vector.broadcast %reduce_min3A_355 : i32 to vector<16xi32>
    %reduce_min3A_357 = arith.xori %select_n3A_352, %reduce_min3A_356 : vector<16xi32>
    %reduce_min3A_358 = tpu.scan <min>, %reduce_min3A_357 masked %reduce_min3A_354 : vector<16xi32>, vector<16xi1> -> vector<16xi32>
    %reduce_min3A_359 = arith.xori %reduce_min3A_358, %reduce_min3A_356 : vector<16xi32>
    %reduce_min3A_360 = vector.extract %reduce_min3A_359[15] : i32 from vector<16xi32>
    %min3A_361 = arith.minsi %min3A_347, %reduce_min3A_360 : i32
    %eq3A_362 = vector.broadcast %reduce_max3A_318 : f32 to vector<16xf32>
    %eq3A_363 = arith.cmpf oeq, %select_n3A_311, %eq3A_362 : vector<16xf32>
    %jit3A_364 = arith.constant 64 : i32
    %broadcast_in_dim3A_365 = vector.broadcast %jit3A_364 : i32 to vector<16xi32>
    %select_n3A_366 = arith.select %eq3A_363, %add3A_227, %broadcast_in_dim3A_365 : vector<16xi1>, vector<16xi32>
    %reduce_min3A_367 = arith.constant true
    %reduce_min3A_368 = vector.broadcast %reduce_min3A_367 : i1 to vector<16xi1>
    %reduce_min3A_369 = arith.constant -2147483648 : i32
    %reduce_min3A_370 = vector.broadcast %reduce_min3A_369 : i32 to vector<16xi32>
    %reduce_min3A_371 = arith.xori %select_n3A_366, %reduce_min3A_370 : vector<16xi32>
    %reduce_min3A_372 = tpu.scan <min>, %reduce_min3A_371 masked %reduce_min3A_368 : vector<16xi32>, vector<16xi1> -> vector<16xi32>
    %reduce_min3A_373 = arith.xori %reduce_min3A_372, %reduce_min3A_370 : vector<16xi32>
    %reduce_min3A_374 = vector.extract %reduce_min3A_373[15] : i32 from vector<16xi32>
    %min3A_375 = arith.minsi %min3A_361, %reduce_min3A_374 : i32
    %sub3A_376 = arith.subf %reduce_max3A_318, %reduce_max3A_234 : f32
    %broadcast_in_dim3A_377 = vector.broadcast %sub3A_376 : f32 to vector<16xf32>
    %exp3A_378 = math.exp %broadcast_in_dim3A_377 : vector<16xf32>
    %add3A_379 = arith.constant 1.000000e+00 : f32
    %add3A_380 = vector.broadcast %add3A_379 : f32 to vector<16xf32>
    %add3A_381 = arith.addf %add3A_380, %exp3A_378 : vector<16xf32>
    %div3A_382 = arith.constant 1.000000e+00 : f32
    %div3A_383 = vector.broadcast %div3A_382 : f32 to vector<16xf32>
    %div3A_384 = arith.divf %div3A_383, %add3A_381 : vector<16xf32>
    %eq3A_385 = arith.constant 4 : i32
    %eq3A_386 = vector.broadcast %eq3A_385 : i32 to vector<16xi32>
    %eq3A_387 = arith.cmpi eq, %iota3A, %eq3A_386 : vector<16xi32>
    %convert_element_type3A_388 = arith.sitofp %min3A_291 : i32 to f32
    %broadcast_in_dim3A_389 = vector.broadcast %convert_element_type3A_388 : f32 to vector<16xf32>
    %select_n3A_390 = arith.select %eq3A_387, %broadcast_in_dim3A_389, %select_n3A_199 : vector<16xi1>, vector<16xf32>
    %eq3A_391 = arith.constant 5 : i32
    %eq3A_392 = vector.broadcast %eq3A_391 : i32 to vector<16xi32>
    %eq3A_393 = arith.cmpi eq, %iota3A, %eq3A_392 : vector<16xi32>
    %convert_element_type3A_394 = arith.sitofp %min3A_375 : i32 to f32
    %broadcast_in_dim3A_395 = vector.broadcast %convert_element_type3A_394 : f32 to vector<16xf32>
    %select_n3A_396 = arith.select %eq3A_393, %broadcast_in_dim3A_395, %select_n3A_390 : vector<16xi1>, vector<16xf32>
    %eq3A_397 = arith.constant 6 : i32
    %eq3A_398 = vector.broadcast %eq3A_397 : i32 to vector<16xi32>
    %eq3A_399 = arith.cmpi eq, %iota3A, %eq3A_398 : vector<16xi32>
    %select_n3A_400 = arith.select %eq3A_399, %div3A_384, %select_n3A_396 : vector<16xi1>, vector<16xf32>
    %eq3A_401 = arith.constant 7 : i32
    %eq3A_402 = vector.broadcast %eq3A_401 : i32 to vector<16xi32>
    %eq3A_403 = arith.cmpi eq, %iota3A, %eq3A_402 : vector<16xi32>
    %sub3A_404 = arith.constant 1.000000e+00 : f32
    %sub3A_405 = vector.broadcast %sub3A_404 : f32 to vector<16xf32>
    %sub3A_406 = arith.subf %sub3A_405, %div3A_384 : vector<16xf32>
    %select_n3A_407 = arith.select %eq3A_403, %sub3A_406, %select_n3A_400 : vector<16xi1>, vector<16xf32>
    %get3A_408 = arith.constant 2 : i32
    %get3A_409 = arith.index_cast %get3A_408 : i32 to index
    %get3A_410 = arith.constant 0 : index
    %get3A_411 = tpu.vector_load %arg4[%get3A_409, %get3A_410] {strides = array<i32>} : memref<4x64xf32, #tpu.memory_space<vmem>>, vector<16xf32>,
    %get3A_412 = arith.constant 2 : i32
    %get3A_413 = arith.index_cast %get3A_412 : i32 to index
    %get3A_414 = arith.constant 16 : index
    %get3A_415 = tpu.vector_load %arg4[%get3A_413, %get3A_414] {strides = array<i32>} : memref<4x64xf32, #tpu.memory_space<vmem>>, vector<16xf32>,
    %get3A_416 = arith.constant 2 : i32
    %get3A_417 = arith.index_cast %get3A_416 : i32 to index
    %get3A_418 = arith.constant 32 : index
    %get3A_419 = tpu.vector_load %arg4[%get3A_417, %get3A_418] {strides = array<i32>} : memref<4x64xf32, #tpu.memory_space<vmem>>, vector<16xf32>,
    %get3A_420 = arith.constant 2 : i32
    %get3A_421 = arith.index_cast %get3A_420 : i32 to index
    %get3A_422 = arith.constant 48 : index
    %get3A_423 = tpu.vector_load %arg4[%get3A_421, %get3A_422] {strides = array<i32>} : memref<4x64xf32, #tpu.memory_space<vmem>>, vector<16xf32>,
    %add3A_424 = arith.constant 0 : i32
    %add3A_425 = vector.broadcast %add3A_424 : i32 to vector<16xi32>
    %add3A_426 = arith.addi %iota3A, %add3A_425 : vector<16xi32>
    %add3A_427 = arith.constant 16 : i32
    %add3A_428 = vector.broadcast %add3A_427 : i32 to vector<16xi32>
    %add3A_429 = arith.addi %iota3A, %add3A_428 : vector<16xi32>
    %add3A_430 = arith.constant 32 : i32
    %add3A_431 = vector.broadcast %add3A_430 : i32 to vector<16xi32>
    %add3A_432 = arith.addi %iota3A, %add3A_431 : vector<16xi32>
    %add3A_433 = arith.constant 48 : i32
    %add3A_434 = vector.broadcast %add3A_433 : i32 to vector<16xi32>
    %add3A_435 = arith.addi %iota3A, %add3A_434 : vector<16xi32>
    %max3A_436 = arith.maximumf %get3A_411, %get3A_415 : vector<16xf32>
    %max3A_437 = arith.maximumf %max3A_436, %get3A_419 : vector<16xf32>
    %max3A_438 = arith.maximumf %max3A_437, %get3A_423 : vector<16xf32>
    %reduce_max3A_439 = arith.constant true
    %reduce_max3A_440 = vector.broadcast %reduce_max3A_439 : i1 to vector<16xi1>
    %reduce_max3A_441 = tpu.scan <max>, %max3A_438 masked %reduce_max3A_440 : vector<16xf32>, vector<16xi1> -> vector<16xf32>
    %reduce_max3A_442 = vector.extract %reduce_max3A_441[15] : f32 from vector<16xf32>
    %eq3A_443 = vector.broadcast %reduce_max3A_442 : f32 to vector<16xf32>
    %eq3A_444 = arith.cmpf oeq, %get3A_411, %eq3A_443 : vector<16xf32>
    %jit3A_445 = arith.constant 64 : i32
    %broadcast_in_dim3A_446 = vector.broadcast %jit3A_445 : i32 to vector<16xi32>
    %select_n3A_447 = arith.select %eq3A_444, %add3A_426, %broadcast_in_dim3A_446 : vector<16xi1>, vector<16xi32>
    %reduce_min3A_448 = arith.constant true
    %reduce_min3A_449 = vector.broadcast %reduce_min3A_448 : i1 to vector<16xi1>
    %reduce_min3A_450 = arith.constant -2147483648 : i32
    %reduce_min3A_451 = vector.broadcast %reduce_min3A_450 : i32 to vector<16xi32>
    %reduce_min3A_452 = arith.xori %select_n3A_447, %reduce_min3A_451 : vector<16xi32>
    %reduce_min3A_453 = tpu.scan <min>, %reduce_min3A_452 masked %reduce_min3A_449 : vector<16xi32>, vector<16xi1> -> vector<16xi32>
    %reduce_min3A_454 = arith.xori %reduce_min3A_453, %reduce_min3A_451 : vector<16xi32>
    %reduce_min3A_455 = vector.extract %reduce_min3A_454[15] : i32 from vector<16xi32>
    %min3A_456 = arith.constant 64 : i32
    %min3A_457 = arith.minsi %min3A_456, %reduce_min3A_455 : i32
    %eq3A_458 = vector.broadcast %reduce_max3A_442 : f32 to vector<16xf32>
    %eq3A_459 = arith.cmpf oeq, %get3A_415, %eq3A_458 : vector<16xf32>
    %jit3A_460 = arith.constant 64 : i32
    %broadcast_in_dim3A_461 = vector.broadcast %jit3A_460 : i32 to vector<16xi32>
    %select_n3A_462 = arith.select %eq3A_459, %add3A_429, %broadcast_in_dim3A_461 : vector<16xi1>, vector<16xi32>
    %reduce_min3A_463 = arith.constant true
    %reduce_min3A_464 = vector.broadcast %reduce_min3A_463 : i1 to vector<16xi1>
    %reduce_min3A_465 = arith.constant -2147483648 : i32
    %reduce_min3A_466 = vector.broadcast %reduce_min3A_465 : i32 to vector<16xi32>
    %reduce_min3A_467 = arith.xori %select_n3A_462, %reduce_min3A_466 : vector<16xi32>
    %reduce_min3A_468 = tpu.scan <min>, %reduce_min3A_467 masked %reduce_min3A_464 : vector<16xi32>, vector<16xi1> -> vector<16xi32>
    %reduce_min3A_469 = arith.xori %reduce_min3A_468, %reduce_min3A_466 : vector<16xi32>
    %reduce_min3A_470 = vector.extract %reduce_min3A_469[15] : i32 from vector<16xi32>
    %min3A_471 = arith.minsi %min3A_457, %reduce_min3A_470 : i32
    %eq3A_472 = vector.broadcast %reduce_max3A_442 : f32 to vector<16xf32>
    %eq3A_473 = arith.cmpf oeq, %get3A_419, %eq3A_472 : vector<16xf32>
    %jit3A_474 = arith.constant 64 : i32
    %broadcast_in_dim3A_475 = vector.broadcast %jit3A_474 : i32 to vector<16xi32>
    %select_n3A_476 = arith.select %eq3A_473, %add3A_432, %broadcast_in_dim3A_475 : vector<16xi1>, vector<16xi32>
    %reduce_min3A_477 = arith.constant true
    %reduce_min3A_478 = vector.broadcast %reduce_min3A_477 : i1 to vector<16xi1>
    %reduce_min3A_479 = arith.constant -2147483648 : i32
    %reduce_min3A_480 = vector.broadcast %reduce_min3A_479 : i32 to vector<16xi32>
    %reduce_min3A_481 = arith.xori %select_n3A_476, %reduce_min3A_480 : vector<16xi32>
    %reduce_min3A_482 = tpu.scan <min>, %reduce_min3A_481 masked %reduce_min3A_478 : vector<16xi32>, vector<16xi1> -> vector<16xi32>
    %reduce_min3A_483 = arith.xori %reduce_min3A_482, %reduce_min3A_480 : vector<16xi32>
    %reduce_min3A_484 = vector.extract %reduce_min3A_483[15] : i32 from vector<16xi32>
    %min3A_485 = arith.minsi %min3A_471, %reduce_min3A_484 : i32
    %eq3A_486 = vector.broadcast %reduce_max3A_442 : f32 to vector<16xf32>
    %eq3A_487 = arith.cmpf oeq, %get3A_423, %eq3A_486 : vector<16xf32>
    %jit3A_488 = arith.constant 64 : i32
    %broadcast_in_dim3A_489 = vector.broadcast %jit3A_488 : i32 to vector<16xi32>
    %select_n3A_490 = arith.select %eq3A_487, %add3A_435, %broadcast_in_dim3A_489 : vector<16xi1>, vector<16xi32>
    %reduce_min3A_491 = arith.constant true
    %reduce_min3A_492 = vector.broadcast %reduce_min3A_491 : i1 to vector<16xi1>
    %reduce_min3A_493 = arith.constant -2147483648 : i32
    %reduce_min3A_494 = vector.broadcast %reduce_min3A_493 : i32 to vector<16xi32>
    %reduce_min3A_495 = arith.xori %select_n3A_490, %reduce_min3A_494 : vector<16xi32>
    %reduce_min3A_496 = tpu.scan <min>, %reduce_min3A_495 masked %reduce_min3A_492 : vector<16xi32>, vector<16xi1> -> vector<16xi32>
    %reduce_min3A_497 = arith.xori %reduce_min3A_496, %reduce_min3A_494 : vector<16xi32>
    %reduce_min3A_498 = vector.extract %reduce_min3A_497[15] : i32 from vector<16xi32>
    %min3A_499 = arith.minsi %min3A_485, %reduce_min3A_498 : i32
    %eq3A_500 = vector.broadcast %min3A_499 : i32 to vector<16xi32>
    %eq3A_501 = arith.cmpi eq, %add3A_426, %eq3A_500 : vector<16xi32>
    %jit3A_502 = arith.constant -3.40282347E+38 : f32
    %broadcast_in_dim3A_503 = vector.broadcast %jit3A_502 : f32 to vector<16xf32>
    %select_n3A_504 = arith.select %eq3A_501, %broadcast_in_dim3A_503, %get3A_411 : vector<16xi1>, vector<16xf32>
    %eq3A_505 = vector.broadcast %min3A_499 : i32 to vector<16xi32>
    %eq3A_506 = arith.cmpi eq, %add3A_429, %eq3A_505 : vector<16xi32>
    %jit3A_507 = arith.constant -3.40282347E+38 : f32
    %broadcast_in_dim3A_508 = vector.broadcast %jit3A_507 : f32 to vector<16xf32>
    %select_n3A_509 = arith.select %eq3A_506, %broadcast_in_dim3A_508, %get3A_415 : vector<16xi1>, vector<16xf32>
    %eq3A_510 = vector.broadcast %min3A_499 : i32 to vector<16xi32>
    %eq3A_511 = arith.cmpi eq, %add3A_432, %eq3A_510 : vector<16xi32>
    %jit3A_512 = arith.constant -3.40282347E+38 : f32
    %broadcast_in_dim3A_513 = vector.broadcast %jit3A_512 : f32 to vector<16xf32>
    %select_n3A_514 = arith.select %eq3A_511, %broadcast_in_dim3A_513, %get3A_419 : vector<16xi1>, vector<16xf32>
    %eq3A_515 = vector.broadcast %min3A_499 : i32 to vector<16xi32>
    %eq3A_516 = arith.cmpi eq, %add3A_435, %eq3A_515 : vector<16xi32>
    %jit3A_517 = arith.constant -3.40282347E+38 : f32
    %broadcast_in_dim3A_518 = vector.broadcast %jit3A_517 : f32 to vector<16xf32>
    %select_n3A_519 = arith.select %eq3A_516, %broadcast_in_dim3A_518, %get3A_423 : vector<16xi1>, vector<16xf32>
    %max3A_520 = arith.maximumf %select_n3A_504, %select_n3A_509 : vector<16xf32>
    %max3A_521 = arith.maximumf %max3A_520, %select_n3A_514 : vector<16xf32>
    %max3A_522 = arith.maximumf %max3A_521, %select_n3A_519 : vector<16xf32>
    %reduce_max3A_523 = arith.constant true
    %reduce_max3A_524 = vector.broadcast %reduce_max3A_523 : i1 to vector<16xi1>
    %reduce_max3A_525 = tpu.scan <max>, %max3A_522 masked %reduce_max3A_524 : vector<16xf32>, vector<16xi1> -> vector<16xf32>
    %reduce_max3A_526 = vector.extract %reduce_max3A_525[15] : f32 from vector<16xf32>
    %eq3A_527 = vector.broadcast %reduce_max3A_526 : f32 to vector<16xf32>
    %eq3A_528 = arith.cmpf oeq, %select_n3A_504, %eq3A_527 : vector<16xf32>
    %jit3A_529 = arith.constant 64 : i32
    %broadcast_in_dim3A_530 = vector.broadcast %jit3A_529 : i32 to vector<16xi32>
    %select_n3A_531 = arith.select %eq3A_528, %add3A_426, %broadcast_in_dim3A_530 : vector<16xi1>, vector<16xi32>
    %reduce_min3A_532 = arith.constant true
    %reduce_min3A_533 = vector.broadcast %reduce_min3A_532 : i1 to vector<16xi1>
    %reduce_min3A_534 = arith.constant -2147483648 : i32
    %reduce_min3A_535 = vector.broadcast %reduce_min3A_534 : i32 to vector<16xi32>
    %reduce_min3A_536 = arith.xori %select_n3A_531, %reduce_min3A_535 : vector<16xi32>
    %reduce_min3A_537 = tpu.scan <min>, %reduce_min3A_536 masked %reduce_min3A_533 : vector<16xi32>, vector<16xi1> -> vector<16xi32>
    %reduce_min3A_538 = arith.xori %reduce_min3A_537, %reduce_min3A_535 : vector<16xi32>
    %reduce_min3A_539 = vector.extract %reduce_min3A_538[15] : i32 from vector<16xi32>
    %min3A_540 = arith.constant 64 : i32
    %min3A_541 = arith.minsi %min3A_540, %reduce_min3A_539 : i32
    %eq3A_542 = vector.broadcast %reduce_max3A_526 : f32 to vector<16xf32>
    %eq3A_543 = arith.cmpf oeq, %select_n3A_509, %eq3A_542 : vector<16xf32>
    %jit3A_544 = arith.constant 64 : i32
    %broadcast_in_dim3A_545 = vector.broadcast %jit3A_544 : i32 to vector<16xi32>
    %select_n3A_546 = arith.select %eq3A_543, %add3A_429, %broadcast_in_dim3A_545 : vector<16xi1>, vector<16xi32>
    %reduce_min3A_547 = arith.constant true
    %reduce_min3A_548 = vector.broadcast %reduce_min3A_547 : i1 to vector<16xi1>
    %reduce_min3A_549 = arith.constant -2147483648 : i32
    %reduce_min3A_550 = vector.broadcast %reduce_min3A_549 : i32 to vector<16xi32>
    %reduce_min3A_551 = arith.xori %select_n3A_546, %reduce_min3A_550 : vector<16xi32>
    %reduce_min3A_552 = tpu.scan <min>, %reduce_min3A_551 masked %reduce_min3A_548 : vector<16xi32>, vector<16xi1> -> vector<16xi32>
    %reduce_min3A_553 = arith.xori %reduce_min3A_552, %reduce_min3A_550 : vector<16xi32>
    %reduce_min3A_554 = vector.extract %reduce_min3A_553[15] : i32 from vector<16xi32>
    %min3A_555 = arith.minsi %min3A_541, %reduce_min3A_554 : i32
    %eq3A_556 = vector.broadcast %reduce_max3A_526 : f32 to vector<16xf32>
    %eq3A_557 = arith.cmpf oeq, %select_n3A_514, %eq3A_556 : vector<16xf32>
    %jit3A_558 = arith.constant 64 : i32
    %broadcast_in_dim3A_559 = vector.broadcast %jit3A_558 : i32 to vector<16xi32>
    %select_n3A_560 = arith.select %eq3A_557, %add3A_432, %broadcast_in_dim3A_559 : vector<16xi1>, vector<16xi32>
    %reduce_min3A_561 = arith.constant true
    %reduce_min3A_562 = vector.broadcast %reduce_min3A_561 : i1 to vector<16xi1>
    %reduce_min3A_563 = arith.constant -2147483648 : i32
    %reduce_min3A_564 = vector.broadcast %reduce_min3A_563 : i32 to vector<16xi32>
    %reduce_min3A_565 = arith.xori %select_n3A_560, %reduce_min3A_564 : vector<16xi32>
    %reduce_min3A_566 = tpu.scan <min>, %reduce_min3A_565 masked %reduce_min3A_562 : vector<16xi32>, vector<16xi1> -> vector<16xi32>
    %reduce_min3A_567 = arith.xori %reduce_min3A_566, %reduce_min3A_564 : vector<16xi32>
    %reduce_min3A_568 = vector.extract %reduce_min3A_567[15] : i32 from vector<16xi32>
    %min3A_569 = arith.minsi %min3A_555, %reduce_min3A_568 : i32
    %eq3A_570 = vector.broadcast %reduce_max3A_526 : f32 to vector<16xf32>
    %eq3A_571 = arith.cmpf oeq, %select_n3A_519, %eq3A_570 : vector<16xf32>
    %jit3A_572 = arith.constant 64 : i32
    %broadcast_in_dim3A_573 = vector.broadcast %jit3A_572 : i32 to vector<16xi32>
    %select_n3A_574 = arith.select %eq3A_571, %add3A_435, %broadcast_in_dim3A_573 : vector<16xi1>, vector<16xi32>
    %reduce_min3A_575 = arith.constant true
    %reduce_min3A_576 = vector.broadcast %reduce_min3A_575 : i1 to vector<16xi1>
    %reduce_min3A_577 = arith.constant -2147483648 : i32
    %reduce_min3A_578 = vector.broadcast %reduce_min3A_577 : i32 to vector<16xi32>
    %reduce_min3A_579 = arith.xori %select_n3A_574, %reduce_min3A_578 : vector<16xi32>
    %reduce_min3A_580 = tpu.scan <min>, %reduce_min3A_579 masked %reduce_min3A_576 : vector<16xi32>, vector<16xi1> -> vector<16xi32>
    %reduce_min3A_581 = arith.xori %reduce_min3A_580, %reduce_min3A_578 : vector<16xi32>
    %reduce_min3A_582 = vector.extract %reduce_min3A_581[15] : i32 from vector<16xi32>
    %min3A_583 = arith.minsi %min3A_569, %reduce_min3A_582 : i32
    %sub3A_584 = arith.subf %reduce_max3A_526, %reduce_max3A_442 : f32
    %broadcast_in_dim3A_585 = vector.broadcast %sub3A_584 : f32 to vector<16xf32>
    %exp3A_586 = math.exp %broadcast_in_dim3A_585 : vector<16xf32>
    %add3A_587 = arith.constant 1.000000e+00 : f32
    %add3A_588 = vector.broadcast %add3A_587 : f32 to vector<16xf32>
    %add3A_589 = arith.addf %add3A_588, %exp3A_586 : vector<16xf32>
    %div3A_590 = arith.constant 1.000000e+00 : f32
    %div3A_591 = vector.broadcast %div3A_590 : f32 to vector<16xf32>
    %div3A_592 = arith.divf %div3A_591, %add3A_589 : vector<16xf32>
    %eq3A_593 = arith.constant 8 : i32
    %eq3A_594 = vector.broadcast %eq3A_593 : i32 to vector<16xi32>
    %eq3A_595 = arith.cmpi eq, %iota3A, %eq3A_594 : vector<16xi32>
    %convert_element_type3A_596 = arith.sitofp %min3A_499 : i32 to f32
    %broadcast_in_dim3A_597 = vector.broadcast %convert_element_type3A_596 : f32 to vector<16xf32>
    %select_n3A_598 = arith.select %eq3A_595, %broadcast_in_dim3A_597, %select_n3A_407 : vector<16xi1>, vector<16xf32>
    %eq3A_599 = arith.constant 9 : i32
    %eq3A_600 = vector.broadcast %eq3A_599 : i32 to vector<16xi32>
    %eq3A_601 = arith.cmpi eq, %iota3A, %eq3A_600 : vector<16xi32>
    %convert_element_type3A_602 = arith.sitofp %min3A_583 : i32 to f32
    %broadcast_in_dim3A_603 = vector.broadcast %convert_element_type3A_602 : f32 to vector<16xf32>
    %select_n3A_604 = arith.select %eq3A_601, %broadcast_in_dim3A_603, %select_n3A_598 : vector<16xi1>, vector<16xf32>
    %eq3A_605 = arith.constant 10 : i32
    %eq3A_606 = vector.broadcast %eq3A_605 : i32 to vector<16xi32>
    %eq3A_607 = arith.cmpi eq, %iota3A, %eq3A_606 : vector<16xi32>
    %select_n3A_608 = arith.select %eq3A_607, %div3A_592, %select_n3A_604 : vector<16xi1>, vector<16xf32>
    %eq3A_609 = arith.constant 11 : i32
    %eq3A_610 = vector.broadcast %eq3A_609 : i32 to vector<16xi32>
    %eq3A_611 = arith.cmpi eq, %iota3A, %eq3A_610 : vector<16xi32>
    %sub3A_612 = arith.constant 1.000000e+00 : f32
    %sub3A_613 = vector.broadcast %sub3A_612 : f32 to vector<16xf32>
    %sub3A_614 = arith.subf %sub3A_613, %div3A_592 : vector<16xf32>
    %select_n3A_615 = arith.select %eq3A_611, %sub3A_614, %select_n3A_608 : vector<16xi1>, vector<16xf32>
    %get3A_616 = arith.constant 3 : i32
    %get3A_617 = arith.index_cast %get3A_616 : i32 to index
    %get3A_618 = arith.constant 0 : index
    %get3A_619 = tpu.vector_load %arg4[%get3A_617, %get3A_618] {strides = array<i32>} : memref<4x64xf32, #tpu.memory_space<vmem>>, vector<16xf32>,
    %get3A_620 = arith.constant 3 : i32
    %get3A_621 = arith.index_cast %get3A_620 : i32 to index
    %get3A_622 = arith.constant 16 : index
    %get3A_623 = tpu.vector_load %arg4[%get3A_621, %get3A_622] {strides = array<i32>} : memref<4x64xf32, #tpu.memory_space<vmem>>, vector<16xf32>,
    %get3A_624 = arith.constant 3 : i32
    %get3A_625 = arith.index_cast %get3A_624 : i32 to index
    %get3A_626 = arith.constant 32 : index
    %get3A_627 = tpu.vector_load %arg4[%get3A_625, %get3A_626] {strides = array<i32>} : memref<4x64xf32, #tpu.memory_space<vmem>>, vector<16xf32>,
    %get3A_628 = arith.constant 3 : i32
    %get3A_629 = arith.index_cast %get3A_628 : i32 to index
    %get3A_630 = arith.constant 48 : index
    %get3A_631 = tpu.vector_load %arg4[%get3A_629, %get3A_630] {strides = array<i32>} : memref<4x64xf32, #tpu.memory_space<vmem>>, vector<16xf32>,
    %add3A_632 = arith.constant 0 : i32
    %add3A_633 = vector.broadcast %add3A_632 : i32 to vector<16xi32>
    %add3A_634 = arith.addi %iota3A, %add3A_633 : vector<16xi32>
    %add3A_635 = arith.constant 16 : i32
    %add3A_636 = vector.broadcast %add3A_635 : i32 to vector<16xi32>
    %add3A_637 = arith.addi %iota3A, %add3A_636 : vector<16xi32>
    %add3A_638 = arith.constant 32 : i32
    %add3A_639 = vector.broadcast %add3A_638 : i32 to vector<16xi32>
    %add3A_640 = arith.addi %iota3A, %add3A_639 : vector<16xi32>
    %add3A_641 = arith.constant 48 : i32
    %add3A_642 = vector.broadcast %add3A_641 : i32 to vector<16xi32>
    %add3A_643 = arith.addi %iota3A, %add3A_642 : vector<16xi32>
    %max3A_644 = arith.maximumf %get3A_619, %get3A_623 : vector<16xf32>
    %max3A_645 = arith.maximumf %max3A_644, %get3A_627 : vector<16xf32>
    %max3A_646 = arith.maximumf %max3A_645, %get3A_631 : vector<16xf32>
    %reduce_max3A_647 = arith.constant true
    %reduce_max3A_648 = vector.broadcast %reduce_max3A_647 : i1 to vector<16xi1>
    %reduce_max3A_649 = tpu.scan <max>, %max3A_646 masked %reduce_max3A_648 : vector<16xf32>, vector<16xi1> -> vector<16xf32>
    %reduce_max3A_650 = vector.extract %reduce_max3A_649[15] : f32 from vector<16xf32>
    %eq3A_651 = vector.broadcast %reduce_max3A_650 : f32 to vector<16xf32>
    %eq3A_652 = arith.cmpf oeq, %get3A_619, %eq3A_651 : vector<16xf32>
    %jit3A_653 = arith.constant 64 : i32
    %broadcast_in_dim3A_654 = vector.broadcast %jit3A_653 : i32 to vector<16xi32>
    %select_n3A_655 = arith.select %eq3A_652, %add3A_634, %broadcast_in_dim3A_654 : vector<16xi1>, vector<16xi32>
    %reduce_min3A_656 = arith.constant true
    %reduce_min3A_657 = vector.broadcast %reduce_min3A_656 : i1 to vector<16xi1>
    %reduce_min3A_658 = arith.constant -2147483648 : i32
    %reduce_min3A_659 = vector.broadcast %reduce_min3A_658 : i32 to vector<16xi32>
    %reduce_min3A_660 = arith.xori %select_n3A_655, %reduce_min3A_659 : vector<16xi32>
    %reduce_min3A_661 = tpu.scan <min>, %reduce_min3A_660 masked %reduce_min3A_657 : vector<16xi32>, vector<16xi1> -> vector<16xi32>
    %reduce_min3A_662 = arith.xori %reduce_min3A_661, %reduce_min3A_659 : vector<16xi32>
    %reduce_min3A_663 = vector.extract %reduce_min3A_662[15] : i32 from vector<16xi32>
    %min3A_664 = arith.constant 64 : i32
    %min3A_665 = arith.minsi %min3A_664, %reduce_min3A_663 : i32
    %eq3A_666 = vector.broadcast %reduce_max3A_650 : f32 to vector<16xf32>
    %eq3A_667 = arith.cmpf oeq, %get3A_623, %eq3A_666 : vector<16xf32>
    %jit3A_668 = arith.constant 64 : i32
    %broadcast_in_dim3A_669 = vector.broadcast %jit3A_668 : i32 to vector<16xi32>
    %select_n3A_670 = arith.select %eq3A_667, %add3A_637, %broadcast_in_dim3A_669 : vector<16xi1>, vector<16xi32>
    %reduce_min3A_671 = arith.constant true
    %reduce_min3A_672 = vector.broadcast %reduce_min3A_671 : i1 to vector<16xi1>
    %reduce_min3A_673 = arith.constant -2147483648 : i32
    %reduce_min3A_674 = vector.broadcast %reduce_min3A_673 : i32 to vector<16xi32>
    %reduce_min3A_675 = arith.xori %select_n3A_670, %reduce_min3A_674 : vector<16xi32>
    %reduce_min3A_676 = tpu.scan <min>, %reduce_min3A_675 masked %reduce_min3A_672 : vector<16xi32>, vector<16xi1> -> vector<16xi32>
    %reduce_min3A_677 = arith.xori %reduce_min3A_676, %reduce_min3A_674 : vector<16xi32>
    %reduce_min3A_678 = vector.extract %reduce_min3A_677[15] : i32 from vector<16xi32>
    %min3A_679 = arith.minsi %min3A_665, %reduce_min3A_678 : i32
    %eq3A_680 = vector.broadcast %reduce_max3A_650 : f32 to vector<16xf32>
    %eq3A_681 = arith.cmpf oeq, %get3A_627, %eq3A_680 : vector<16xf32>
    %jit3A_682 = arith.constant 64 : i32
    %broadcast_in_dim3A_683 = vector.broadcast %jit3A_682 : i32 to vector<16xi32>
    %select_n3A_684 = arith.select %eq3A_681, %add3A_640, %broadcast_in_dim3A_683 : vector<16xi1>, vector<16xi32>
    %reduce_min3A_685 = arith.constant true
    %reduce_min3A_686 = vector.broadcast %reduce_min3A_685 : i1 to vector<16xi1>
    %reduce_min3A_687 = arith.constant -2147483648 : i32
    %reduce_min3A_688 = vector.broadcast %reduce_min3A_687 : i32 to vector<16xi32>
    %reduce_min3A_689 = arith.xori %select_n3A_684, %reduce_min3A_688 : vector<16xi32>
    %reduce_min3A_690 = tpu.scan <min>, %reduce_min3A_689 masked %reduce_min3A_686 : vector<16xi32>, vector<16xi1> -> vector<16xi32>
    %reduce_min3A_691 = arith.xori %reduce_min3A_690, %reduce_min3A_688 : vector<16xi32>
    %reduce_min3A_692 = vector.extract %reduce_min3A_691[15] : i32 from vector<16xi32>
    %min3A_693 = arith.minsi %min3A_679, %reduce_min3A_692 : i32
    %eq3A_694 = vector.broadcast %reduce_max3A_650 : f32 to vector<16xf32>
    %eq3A_695 = arith.cmpf oeq, %get3A_631, %eq3A_694 : vector<16xf32>
    %jit3A_696 = arith.constant 64 : i32
    %broadcast_in_dim3A_697 = vector.broadcast %jit3A_696 : i32 to vector<16xi32>
    %select_n3A_698 = arith.select %eq3A_695, %add3A_643, %broadcast_in_dim3A_697 : vector<16xi1>, vector<16xi32>
    %reduce_min3A_699 = arith.constant true
    %reduce_min3A_700 = vector.broadcast %reduce_min3A_699 : i1 to vector<16xi1>
    %reduce_min3A_701 = arith.constant -2147483648 : i32
    %reduce_min3A_702 = vector.broadcast %reduce_min3A_701 : i32 to vector<16xi32>
    %reduce_min3A_703 = arith.xori %select_n3A_698, %reduce_min3A_702 : vector<16xi32>
    %reduce_min3A_704 = tpu.scan <min>, %reduce_min3A_703 masked %reduce_min3A_700 : vector<16xi32>, vector<16xi1> -> vector<16xi32>
    %reduce_min3A_705 = arith.xori %reduce_min3A_704, %reduce_min3A_702 : vector<16xi32>
    %reduce_min3A_706 = vector.extract %reduce_min3A_705[15] : i32 from vector<16xi32>
    %min3A_707 = arith.minsi %min3A_693, %reduce_min3A_706 : i32
    %eq3A_708 = vector.broadcast %min3A_707 : i32 to vector<16xi32>
    %eq3A_709 = arith.cmpi eq, %add3A_634, %eq3A_708 : vector<16xi32>
    %jit3A_710 = arith.constant -3.40282347E+38 : f32
    %broadcast_in_dim3A_711 = vector.broadcast %jit3A_710 : f32 to vector<16xf32>
    %select_n3A_712 = arith.select %eq3A_709, %broadcast_in_dim3A_711, %get3A_619 : vector<16xi1>, vector<16xf32>
    %eq3A_713 = vector.broadcast %min3A_707 : i32 to vector<16xi32>
    %eq3A_714 = arith.cmpi eq, %add3A_637, %eq3A_713 : vector<16xi32>
    %jit3A_715 = arith.constant -3.40282347E+38 : f32
    %broadcast_in_dim3A_716 = vector.broadcast %jit3A_715 : f32 to vector<16xf32>
    %select_n3A_717 = arith.select %eq3A_714, %broadcast_in_dim3A_716, %get3A_623 : vector<16xi1>, vector<16xf32>
    %eq3A_718 = vector.broadcast %min3A_707 : i32 to vector<16xi32>
    %eq3A_719 = arith.cmpi eq, %add3A_640, %eq3A_718 : vector<16xi32>
    %jit3A_720 = arith.constant -3.40282347E+38 : f32
    %broadcast_in_dim3A_721 = vector.broadcast %jit3A_720 : f32 to vector<16xf32>
    %select_n3A_722 = arith.select %eq3A_719, %broadcast_in_dim3A_721, %get3A_627 : vector<16xi1>, vector<16xf32>
    %eq3A_723 = vector.broadcast %min3A_707 : i32 to vector<16xi32>
    %eq3A_724 = arith.cmpi eq, %add3A_643, %eq3A_723 : vector<16xi32>
    %jit3A_725 = arith.constant -3.40282347E+38 : f32
    %broadcast_in_dim3A_726 = vector.broadcast %jit3A_725 : f32 to vector<16xf32>
    %select_n3A_727 = arith.select %eq3A_724, %broadcast_in_dim3A_726, %get3A_631 : vector<16xi1>, vector<16xf32>
    %max3A_728 = arith.maximumf %select_n3A_712, %select_n3A_717 : vector<16xf32>
    %max3A_729 = arith.maximumf %max3A_728, %select_n3A_722 : vector<16xf32>
    %max3A_730 = arith.maximumf %max3A_729, %select_n3A_727 : vector<16xf32>
    %reduce_max3A_731 = arith.constant true
    %reduce_max3A_732 = vector.broadcast %reduce_max3A_731 : i1 to vector<16xi1>
    %reduce_max3A_733 = tpu.scan <max>, %max3A_730 masked %reduce_max3A_732 : vector<16xf32>, vector<16xi1> -> vector<16xf32>
    %reduce_max3A_734 = vector.extract %reduce_max3A_733[15] : f32 from vector<16xf32>
    %eq3A_735 = vector.broadcast %reduce_max3A_734 : f32 to vector<16xf32>
    %eq3A_736 = arith.cmpf oeq, %select_n3A_712, %eq3A_735 : vector<16xf32>
    %jit3A_737 = arith.constant 64 : i32
    %broadcast_in_dim3A_738 = vector.broadcast %jit3A_737 : i32 to vector<16xi32>
    %select_n3A_739 = arith.select %eq3A_736, %add3A_634, %broadcast_in_dim3A_738 : vector<16xi1>, vector<16xi32>
    %reduce_min3A_740 = arith.constant true
    %reduce_min3A_741 = vector.broadcast %reduce_min3A_740 : i1 to vector<16xi1>
    %reduce_min3A_742 = arith.constant -2147483648 : i32
    %reduce_min3A_743 = vector.broadcast %reduce_min3A_742 : i32 to vector<16xi32>
    %reduce_min3A_744 = arith.xori %select_n3A_739, %reduce_min3A_743 : vector<16xi32>
    %reduce_min3A_745 = tpu.scan <min>, %reduce_min3A_744 masked %reduce_min3A_741 : vector<16xi32>, vector<16xi1> -> vector<16xi32>
    %reduce_min3A_746 = arith.xori %reduce_min3A_745, %reduce_min3A_743 : vector<16xi32>
    %reduce_min3A_747 = vector.extract %reduce_min3A_746[15] : i32 from vector<16xi32>
    %min3A_748 = arith.constant 64 : i32
    %min3A_749 = arith.minsi %min3A_748, %reduce_min3A_747 : i32
    %eq3A_750 = vector.broadcast %reduce_max3A_734 : f32 to vector<16xf32>
    %eq3A_751 = arith.cmpf oeq, %select_n3A_717, %eq3A_750 : vector<16xf32>
    %jit3A_752 = arith.constant 64 : i32
    %broadcast_in_dim3A_753 = vector.broadcast %jit3A_752 : i32 to vector<16xi32>
    %select_n3A_754 = arith.select %eq3A_751, %add3A_637, %broadcast_in_dim3A_753 : vector<16xi1>, vector<16xi32>
    %reduce_min3A_755 = arith.constant true
    %reduce_min3A_756 = vector.broadcast %reduce_min3A_755 : i1 to vector<16xi1>
    %reduce_min3A_757 = arith.constant -2147483648 : i32
    %reduce_min3A_758 = vector.broadcast %reduce_min3A_757 : i32 to vector<16xi32>
    %reduce_min3A_759 = arith.xori %select_n3A_754, %reduce_min3A_758 : vector<16xi32>
    %reduce_min3A_760 = tpu.scan <min>, %reduce_min3A_759 masked %reduce_min3A_756 : vector<16xi32>, vector<16xi1> -> vector<16xi32>
    %reduce_min3A_761 = arith.xori %reduce_min3A_760, %reduce_min3A_758 : vector<16xi32>
    %reduce_min3A_762 = vector.extract %reduce_min3A_761[15] : i32 from vector<16xi32>
    %min3A_763 = arith.minsi %min3A_749, %reduce_min3A_762 : i32
    %eq3A_764 = vector.broadcast %reduce_max3A_734 : f32 to vector<16xf32>
    %eq3A_765 = arith.cmpf oeq, %select_n3A_722, %eq3A_764 : vector<16xf32>
    %jit3A_766 = arith.constant 64 : i32
    %broadcast_in_dim3A_767 = vector.broadcast %jit3A_766 : i32 to vector<16xi32>
    %select_n3A_768 = arith.select %eq3A_765, %add3A_640, %broadcast_in_dim3A_767 : vector<16xi1>, vector<16xi32>
    %reduce_min3A_769 = arith.constant true
    %reduce_min3A_770 = vector.broadcast %reduce_min3A_769 : i1 to vector<16xi1>
    %reduce_min3A_771 = arith.constant -2147483648 : i32
    %reduce_min3A_772 = vector.broadcast %reduce_min3A_771 : i32 to vector<16xi32>
    %reduce_min3A_773 = arith.xori %select_n3A_768, %reduce_min3A_772 : vector<16xi32>
    %reduce_min3A_774 = tpu.scan <min>, %reduce_min3A_773 masked %reduce_min3A_770 : vector<16xi32>, vector<16xi1> -> vector<16xi32>
    %reduce_min3A_775 = arith.xori %reduce_min3A_774, %reduce_min3A_772 : vector<16xi32>
    %reduce_min3A_776 = vector.extract %reduce_min3A_775[15] : i32 from vector<16xi32>
    %min3A_777 = arith.minsi %min3A_763, %reduce_min3A_776 : i32
    %eq3A_778 = vector.broadcast %reduce_max3A_734 : f32 to vector<16xf32>
    %eq3A_779 = arith.cmpf oeq, %select_n3A_727, %eq3A_778 : vector<16xf32>
    %jit3A_780 = arith.constant 64 : i32
    %broadcast_in_dim3A_781 = vector.broadcast %jit3A_780 : i32 to vector<16xi32>
    %select_n3A_782 = arith.select %eq3A_779, %add3A_643, %broadcast_in_dim3A_781 : vector<16xi1>, vector<16xi32>
    %reduce_min3A_783 = arith.constant true
    %reduce_min3A_784 = vector.broadcast %reduce_min3A_783 : i1 to vector<16xi1>
    %reduce_min3A_785 = arith.constant -2147483648 : i32
    %reduce_min3A_786 = vector.broadcast %reduce_min3A_785 : i32 to vector<16xi32>
    %reduce_min3A_787 = arith.xori %select_n3A_782, %reduce_min3A_786 : vector<16xi32>
    %reduce_min3A_788 = tpu.scan <min>, %reduce_min3A_787 masked %reduce_min3A_784 : vector<16xi32>, vector<16xi1> -> vector<16xi32>
    %reduce_min3A_789 = arith.xori %reduce_min3A_788, %reduce_min3A_786 : vector<16xi32>
    %reduce_min3A_790 = vector.extract %reduce_min3A_789[15] : i32 from vector<16xi32>
    %min3A_791 = arith.minsi %min3A_777, %reduce_min3A_790 : i32
    %sub3A_792 = arith.subf %reduce_max3A_734, %reduce_max3A_650 : f32
    %broadcast_in_dim3A_793 = vector.broadcast %sub3A_792 : f32 to vector<16xf32>
    %exp3A_794 = math.exp %broadcast_in_dim3A_793 : vector<16xf32>
    %add3A_795 = arith.constant 1.000000e+00 : f32
    %add3A_796 = vector.broadcast %add3A_795 : f32 to vector<16xf32>
    %add3A_797 = arith.addf %add3A_796, %exp3A_794 : vector<16xf32>
    %div3A_798 = arith.constant 1.000000e+00 : f32
    %div3A_799 = vector.broadcast %div3A_798 : f32 to vector<16xf32>
    %div3A_800 = arith.divf %div3A_799, %add3A_797 : vector<16xf32>
    %eq3A_801 = arith.constant 12 : i32
    %eq3A_802 = vector.broadcast %eq3A_801 : i32 to vector<16xi32>
    %eq3A_803 = arith.cmpi eq, %iota3A, %eq3A_802 : vector<16xi32>
    %convert_element_type3A_804 = arith.sitofp %min3A_707 : i32 to f32
    %broadcast_in_dim3A_805 = vector.broadcast %convert_element_type3A_804 : f32 to vector<16xf32>
    %select_n3A_806 = arith.select %eq3A_803, %broadcast_in_dim3A_805, %select_n3A_615 : vector<16xi1>, vector<16xf32>
    %eq3A_807 = arith.constant 13 : i32
    %eq3A_808 = vector.broadcast %eq3A_807 : i32 to vector<16xi32>
    %eq3A_809 = arith.cmpi eq, %iota3A, %eq3A_808 : vector<16xi32>
    %convert_element_type3A_810 = arith.sitofp %min3A_791 : i32 to f32
    %broadcast_in_dim3A_811 = vector.broadcast %convert_element_type3A_810 : f32 to vector<16xf32>
    %select_n3A_812 = arith.select %eq3A_809, %broadcast_in_dim3A_811, %select_n3A_806 : vector<16xi1>, vector<16xf32>
    %eq3A_813 = arith.constant 14 : i32
    %eq3A_814 = vector.broadcast %eq3A_813 : i32 to vector<16xi32>
    %eq3A_815 = arith.cmpi eq, %iota3A, %eq3A_814 : vector<16xi32>
    %select_n3A_816 = arith.select %eq3A_815, %div3A_800, %select_n3A_812 : vector<16xi1>, vector<16xf32>
    %eq3A_817 = arith.constant 15 : i32
    %eq3A_818 = vector.broadcast %eq3A_817 : i32 to vector<16xi32>
    %eq3A_819 = arith.cmpi eq, %iota3A, %eq3A_818 : vector<16xi32>
    %sub3A_820 = arith.constant 1.000000e+00 : f32
    %sub3A_821 = vector.broadcast %sub3A_820 : f32 to vector<16xf32>
    %sub3A_822 = arith.subf %sub3A_821, %div3A_800 : vector<16xf32>
    %select_n3A_823 = arith.select %eq3A_819, %sub3A_822, %select_n3A_816 : vector<16xi1>, vector<16xf32>
    %swap3A = arith.constant 0 : index
    %swap3A_824 = tpu.vector_load %arg5[%swap3A] {strides = array<i32>} : memref<16xf32, #tpu.memory_space<vmem>>, vector<16xf32>,
    tpu.vector_store %arg5[%swap3A], %select_n3A_823 {strides = array<i32>} : memref<16xf32, #tpu.memory_space<vmem>>, vector<16xf32>,
    %mul3A_825 = arith.constant 4 : i32
    %mul3A_826 = arith.muli %mul3A_2, %mul3A_825 : i32
    "tpu.region"() ({
      %run_scoped3A = tpu.sem_alloc : memref<!tpu.dma_semaphore, #tpu.memory_space<semaphore_mem>>
      %dma_start3A = tpu.memref_slice %arg3[%mul3A_826] : memref<512xf32, #tpu.memory_space<hbm>> -> memref<16xf32, #tpu.memory_space<hbm>>
      %dma_start3A_827 = tpu.memref_slice %arg3[%mul3A_826] : memref<512xf32, #tpu.memory_space<hbm>> -> memref<16xf32, #tpu.memory_space<hbm>>
      tpu.enqueue_dma source(%arg5 : memref<16xf32, #tpu.memory_space<vmem>>) target(%dma_start3A_827 : memref<16xf32, #tpu.memory_space<hbm>>) target_semaphore(%run_scoped3A : memref<!tpu.dma_semaphore, #tpu.memory_space<semaphore_mem>>)
      %dma_wait3A = tpu.memref_slice %arg3[%mul3A_826] : memref<512xf32, #tpu.memory_space<hbm>> -> memref<16xf32, #tpu.memory_space<hbm>>
      %dma_wait3A_828 = tpu.memref_slice %arg3[%mul3A_826] : memref<512xf32, #tpu.memory_space<hbm>> -> memref<16xf32, #tpu.memory_space<hbm>>
      tpu.wait_dma2 semaphore(%run_scoped3A : memref<!tpu.dma_semaphore, #tpu.memory_space<semaphore_mem>>) src(%arg5 : memref<16xf32, #tpu.memory_space<vmem>>) dst(%dma_wait3A_828 : memref<16xf32, #tpu.memory_space<hbm>>)
      tpu.yield
    }) : () -> ()
    return
  }
}

module attributes {stable_mosaic.version = 14 : i64} {
  func.func @_moe_kernel(%arg0: memref<128x1024xf32, #tpu.memory_space<vmem>>, %arg1: memref<128x4xf32, #tpu.memory_space<vmem>>, %arg2: memref<64x1024x1024xf32, #tpu.memory_space<hbm>>, %arg3: memref<64x1024x1024xf32, #tpu.memory_space<hbm>>, %arg4: memref<64x1024x1024xf32, #tpu.memory_space<hbm>>, %arg5: memref<128x1024xf32, #tpu.memory_space<vmem>>, %arg6: memref<2x2x1024x1024xf32, #tpu.memory_space<vmem>>, %arg7: memref<2x2x1024x1024xf32, #tpu.memory_space<vmem>>, %arg8: memref<2x2x1024x1024xf32, #tpu.memory_space<vmem>>, %arg9: memref<2x!tpu.dma_semaphore, #tpu.memory_space<semaphore_mem>>, %arg10: memref<2x!tpu.dma_semaphore, #tpu.memory_space<semaphore_mem>>, %arg11: memref<2x!tpu.dma_semaphore, #tpu.memory_space<semaphore_mem>>) attributes {dimension_semantics = [], scalar_prefetch = 0 : i64, scratch_operands = 6 : i64, tpu.core_type = #tpu.core_type<tc>} {
    %rem3A = arith.constant 0 : i32
    %rem3A_0 = arith.constant 2 : i32
    %rem3A_1 = arith.remsi %rem3A, %rem3A_0 : i32
    %dma_start3A = tpu.memref_slice %arg9[%rem3A_1] : memref<2x!tpu.dma_semaphore, #tpu.memory_space<semaphore_mem>> -> memref<1x!tpu.dma_semaphore, #tpu.memory_space<semaphore_mem>>
    %dma_start3A_2 = tpu.memref_squeeze %dma_start3A : memref<1x!tpu.dma_semaphore, #tpu.memory_space<semaphore_mem>> -> memref<!tpu.dma_semaphore, #tpu.memory_space<semaphore_mem>>
    %dma_start3A_3 = arith.constant 0 : i32
    %dma_start3A_4 = arith.constant 0 : i32
    %dma_start3A_5 = arith.constant 0 : i32
    %dma_start3A_6 = tpu.memref_slice %arg6[%rem3A_1, %dma_start3A_3, %dma_start3A_4, %dma_start3A_5] : memref<2x2x1024x1024xf32, #tpu.memory_space<vmem>> -> memref<1x2x1024x1024xf32, #tpu.memory_space<vmem>>
    %dma_start3A_7 = tpu.memref_squeeze %dma_start3A_6 : memref<1x2x1024x1024xf32, #tpu.memory_space<vmem>> -> memref<2x1024x1024xf32, #tpu.memory_space<vmem>>
    %dma_start3A_8 = arith.constant 0 : i32
    %dma_start3A_9 = arith.constant 0 : i32
    %dma_start3A_10 = arith.constant 0 : i32
    %dma_start3A_11 = tpu.memref_slice %arg2[%dma_start3A_8, %dma_start3A_9, %dma_start3A_10] : memref<64x1024x1024xf32, #tpu.memory_space<hbm>> -> memref<2x1024x1024xf32, #tpu.memory_space<hbm>>
    tpu.enqueue_dma source(%dma_start3A_11 : memref<2x1024x1024xf32, #tpu.memory_space<hbm>>) target(%dma_start3A_7 : memref<2x1024x1024xf32, #tpu.memory_space<vmem>>) target_semaphore(%dma_start3A_2 : memref<!tpu.dma_semaphore, #tpu.memory_space<semaphore_mem>>)
    %dma_start3A_12 = tpu.memref_slice %arg10[%rem3A_1] : memref<2x!tpu.dma_semaphore, #tpu.memory_space<semaphore_mem>> -> memref<1x!tpu.dma_semaphore, #tpu.memory_space<semaphore_mem>>
    %dma_start3A_13 = tpu.memref_squeeze %dma_start3A_12 : memref<1x!tpu.dma_semaphore, #tpu.memory_space<semaphore_mem>> -> memref<!tpu.dma_semaphore, #tpu.memory_space<semaphore_mem>>
    %dma_start3A_14 = arith.constant 0 : i32
    %dma_start3A_15 = arith.constant 0 : i32
    %dma_start3A_16 = arith.constant 0 : i32
    %dma_start3A_17 = tpu.memref_slice %arg7[%rem3A_1, %dma_start3A_14, %dma_start3A_15, %dma_start3A_16] : memref<2x2x1024x1024xf32, #tpu.memory_space<vmem>> -> memref<1x2x1024x1024xf32, #tpu.memory_space<vmem>>
    %dma_start3A_18 = tpu.memref_squeeze %dma_start3A_17 : memref<1x2x1024x1024xf32, #tpu.memory_space<vmem>> -> memref<2x1024x1024xf32, #tpu.memory_space<vmem>>
    %dma_start3A_19 = arith.constant 0 : i32
    %dma_start3A_20 = arith.constant 0 : i32
    %dma_start3A_21 = arith.constant 0 : i32
    %dma_start3A_22 = tpu.memref_slice %arg3[%dma_start3A_19, %dma_start3A_20, %dma_start3A_21] : memref<64x1024x1024xf32, #tpu.memory_space<hbm>> -> memref<2x1024x1024xf32, #tpu.memory_space<hbm>>
    tpu.enqueue_dma source(%dma_start3A_22 : memref<2x1024x1024xf32, #tpu.memory_space<hbm>>) target(%dma_start3A_18 : memref<2x1024x1024xf32, #tpu.memory_space<vmem>>) target_semaphore(%dma_start3A_13 : memref<!tpu.dma_semaphore, #tpu.memory_space<semaphore_mem>>)
    %dma_start3A_23 = tpu.memref_slice %arg11[%rem3A_1] : memref<2x!tpu.dma_semaphore, #tpu.memory_space<semaphore_mem>> -> memref<1x!tpu.dma_semaphore, #tpu.memory_space<semaphore_mem>>
    %dma_start3A_24 = tpu.memref_squeeze %dma_start3A_23 : memref<1x!tpu.dma_semaphore, #tpu.memory_space<semaphore_mem>> -> memref<!tpu.dma_semaphore, #tpu.memory_space<semaphore_mem>>
    %dma_start3A_25 = arith.constant 0 : i32
    %dma_start3A_26 = arith.constant 0 : i32
    %dma_start3A_27 = arith.constant 0 : i32
    %dma_start3A_28 = tpu.memref_slice %arg8[%rem3A_1, %dma_start3A_25, %dma_start3A_26, %dma_start3A_27] : memref<2x2x1024x1024xf32, #tpu.memory_space<vmem>> -> memref<1x2x1024x1024xf32, #tpu.memory_space<vmem>>
    %dma_start3A_29 = tpu.memref_squeeze %dma_start3A_28 : memref<1x2x1024x1024xf32, #tpu.memory_space<vmem>> -> memref<2x1024x1024xf32, #tpu.memory_space<vmem>>
    %dma_start3A_30 = arith.constant 0 : i32
    %dma_start3A_31 = arith.constant 0 : i32
    %dma_start3A_32 = arith.constant 0 : i32
    %dma_start3A_33 = tpu.memref_slice %arg4[%dma_start3A_30, %dma_start3A_31, %dma_start3A_32] : memref<64x1024x1024xf32, #tpu.memory_space<hbm>> -> memref<2x1024x1024xf32, #tpu.memory_space<hbm>>
    tpu.enqueue_dma source(%dma_start3A_33 : memref<2x1024x1024xf32, #tpu.memory_space<hbm>>) target(%dma_start3A_29 : memref<2x1024x1024xf32, #tpu.memory_space<vmem>>) target_semaphore(%dma_start3A_24 : memref<!tpu.dma_semaphore, #tpu.memory_space<semaphore_mem>>)
    %broadcast_in_dim3A = arith.constant 0.000000e+00 : f32
    %broadcast_in_dim3A_34 = vector.broadcast %broadcast_in_dim3A : f32 to vector<128x1024xf32>
    %swap3A = arith.constant 0 : index
    %swap3A_35 = arith.constant 0 : index
    %swap3A_36 = vector.load %arg5[%swap3A, %swap3A_35] : memref<128x1024xf32, #tpu.memory_space<vmem>>, vector<128x1024xf32>
    tpu.vector_store %arg5[%swap3A, %swap3A_35], %broadcast_in_dim3A_34 {strides = array<i32>} : memref<128x1024xf32, #tpu.memory_space<vmem>>, vector<128x1024xf32>,
    %get3A = arith.constant 0 : index
    %get3A_37 = arith.constant 0 : index
    %get3A_38 = vector.load %arg0[%get3A, %get3A_37] : memref<128x1024xf32, #tpu.memory_space<vmem>>, vector<128x1024xf32>
    %get3A_39 = arith.constant 0 : index
    %get3A_40 = arith.constant 0 : index
    %get3A_41 = vector.load %arg1[%get3A_39, %get3A_40] : memref<128x4xf32, #tpu.memory_space<vmem>>, vector<128x4xf32>
    %slice3A = vector.extract_strided_slice %get3A_41 {offsets = [0, 0], sizes = [128, 1], strides = [1, 1]} : vector<128x4xf32> to vector<128x1xf32>
    %slice3A_42 = vector.extract_strided_slice %get3A_41 {offsets = [0, 1], sizes = [128, 1], strides = [1, 1]} : vector<128x4xf32> to vector<128x1xf32>
    %slice3A_43 = vector.extract_strided_slice %get3A_41 {offsets = [0, 2], sizes = [128, 1], strides = [1, 1]} : vector<128x4xf32> to vector<128x1xf32>
    %slice3A_44 = vector.extract_strided_slice %get3A_41 {offsets = [0, 3], sizes = [128, 1], strides = [1, 1]} : vector<128x4xf32> to vector<128x1xf32>
    %scan3A = arith.constant 0 : i32
    %scan3A_45 = arith.constant 32 : i32
    %scan3A_46 = arith.addi %scan3A, %scan3A_45 : i32
    %scan3A_47 = arith.constant 1 : i32
    scf.for %scan3A_49 = %scan3A to %scan3A_46 step %scan3A_47  : i32 {
      %add3A = arith.constant 1 : i32
      %add3A_50 = arith.addi %scan3A_49, %add3A : i32
      %lt3A = arith.constant 32 : i32
      %lt3A_51 = arith.cmpi slt, %add3A_50, %lt3A : i32
      %convert_element_type3A = arith.extui %lt3A_51 : i1 to i32
      %cond3A = arith.constant 0 : i32
      %cond3A_52 = arith.cmpi ne, %convert_element_type3A, %cond3A : i32
      scf.if %cond3A_52 {
        %add3A_190 = arith.constant 1 : i32
        %add3A_191 = arith.addi %scan3A_49, %add3A_190 : i32
        %rem3A_192 = arith.constant 2 : i32
        %rem3A_193 = arith.remsi %add3A_191, %rem3A_192 : i32
        %mul3A_194 = arith.constant 2 : i32
        %mul3A_195 = arith.muli %add3A_191, %mul3A_194 : i32
        %dma_start3A_196 = tpu.memref_slice %arg9[%rem3A_193] : memref<2x!tpu.dma_semaphore, #tpu.memory_space<semaphore_mem>> -> memref<1x!tpu.dma_semaphore, #tpu.memory_space<semaphore_mem>>
        %dma_start3A_197 = tpu.memref_squeeze %dma_start3A_196 : memref<1x!tpu.dma_semaphore, #tpu.memory_space<semaphore_mem>> -> memref<!tpu.dma_semaphore, #tpu.memory_space<semaphore_mem>>
        %dma_start3A_198 = arith.constant 0 : i32
        %dma_start3A_199 = arith.constant 0 : i32
        %dma_start3A_200 = arith.constant 0 : i32
        %dma_start3A_201 = tpu.memref_slice %arg6[%rem3A_193, %dma_start3A_198, %dma_start3A_199, %dma_start3A_200] : memref<2x2x1024x1024xf32, #tpu.memory_space<vmem>> -> memref<1x2x1024x1024xf32, #tpu.memory_space<vmem>>
        %dma_start3A_202 = tpu.memref_squeeze %dma_start3A_201 : memref<1x2x1024x1024xf32, #tpu.memory_space<vmem>> -> memref<2x1024x1024xf32, #tpu.memory_space<vmem>>
        %dma_start3A_203 = arith.constant 0 : i32
        %dma_start3A_204 = arith.constant 0 : i32
        %dma_start3A_205 = tpu.memref_slice %arg2[%mul3A_195, %dma_start3A_203, %dma_start3A_204] : memref<64x1024x1024xf32, #tpu.memory_space<hbm>> -> memref<2x1024x1024xf32, #tpu.memory_space<hbm>>
        tpu.enqueue_dma source(%dma_start3A_205 : memref<2x1024x1024xf32, #tpu.memory_space<hbm>>) target(%dma_start3A_202 : memref<2x1024x1024xf32, #tpu.memory_space<vmem>>) target_semaphore(%dma_start3A_197 : memref<!tpu.dma_semaphore, #tpu.memory_space<semaphore_mem>>)
        %dma_start3A_206 = tpu.memref_slice %arg10[%rem3A_193] : memref<2x!tpu.dma_semaphore, #tpu.memory_space<semaphore_mem>> -> memref<1x!tpu.dma_semaphore, #tpu.memory_space<semaphore_mem>>
        %dma_start3A_207 = tpu.memref_squeeze %dma_start3A_206 : memref<1x!tpu.dma_semaphore, #tpu.memory_space<semaphore_mem>> -> memref<!tpu.dma_semaphore, #tpu.memory_space<semaphore_mem>>
        %dma_start3A_208 = arith.constant 0 : i32
        %dma_start3A_209 = arith.constant 0 : i32
        %dma_start3A_210 = arith.constant 0 : i32
        %dma_start3A_211 = tpu.memref_slice %arg7[%rem3A_193, %dma_start3A_208, %dma_start3A_209, %dma_start3A_210] : memref<2x2x1024x1024xf32, #tpu.memory_space<vmem>> -> memref<1x2x1024x1024xf32, #tpu.memory_space<vmem>>
        %dma_start3A_212 = tpu.memref_squeeze %dma_start3A_211 : memref<1x2x1024x1024xf32, #tpu.memory_space<vmem>> -> memref<2x1024x1024xf32, #tpu.memory_space<vmem>>
        %dma_start3A_213 = arith.constant 0 : i32
        %dma_start3A_214 = arith.constant 0 : i32
        %dma_start3A_215 = tpu.memref_slice %arg3[%mul3A_195, %dma_start3A_213, %dma_start3A_214] : memref<64x1024x1024xf32, #tpu.memory_space<hbm>> -> memref<2x1024x1024xf32, #tpu.memory_space<hbm>>
        tpu.enqueue_dma source(%dma_start3A_215 : memref<2x1024x1024xf32, #tpu.memory_space<hbm>>) target(%dma_start3A_212 : memref<2x1024x1024xf32, #tpu.memory_space<vmem>>) target_semaphore(%dma_start3A_207 : memref<!tpu.dma_semaphore, #tpu.memory_space<semaphore_mem>>)
        %dma_start3A_216 = tpu.memref_slice %arg11[%rem3A_193] : memref<2x!tpu.dma_semaphore, #tpu.memory_space<semaphore_mem>> -> memref<1x!tpu.dma_semaphore, #tpu.memory_space<semaphore_mem>>
        %dma_start3A_217 = tpu.memref_squeeze %dma_start3A_216 : memref<1x!tpu.dma_semaphore, #tpu.memory_space<semaphore_mem>> -> memref<!tpu.dma_semaphore, #tpu.memory_space<semaphore_mem>>
        %dma_start3A_218 = arith.constant 0 : i32
        %dma_start3A_219 = arith.constant 0 : i32
        %dma_start3A_220 = arith.constant 0 : i32
        %dma_start3A_221 = tpu.memref_slice %arg8[%rem3A_193, %dma_start3A_218, %dma_start3A_219, %dma_start3A_220] : memref<2x2x1024x1024xf32, #tpu.memory_space<vmem>> -> memref<1x2x1024x1024xf32, #tpu.memory_space<vmem>>
        %dma_start3A_222 = tpu.memref_squeeze %dma_start3A_221 : memref<1x2x1024x1024xf32, #tpu.memory_space<vmem>> -> memref<2x1024x1024xf32, #tpu.memory_space<vmem>>
        %dma_start3A_223 = arith.constant 0 : i32
        %dma_start3A_224 = arith.constant 0 : i32
        %dma_start3A_225 = tpu.memref_slice %arg4[%mul3A_195, %dma_start3A_223, %dma_start3A_224] : memref<64x1024x1024xf32, #tpu.memory_space<hbm>> -> memref<2x1024x1024xf32, #tpu.memory_space<hbm>>
        tpu.enqueue_dma source(%dma_start3A_225 : memref<2x1024x1024xf32, #tpu.memory_space<hbm>>) target(%dma_start3A_222 : memref<2x1024x1024xf32, #tpu.memory_space<vmem>>) target_semaphore(%dma_start3A_217 : memref<!tpu.dma_semaphore, #tpu.memory_space<semaphore_mem>>)
      } else {
      }
      %rem3A_53 = arith.constant 2 : i32
      %rem3A_54 = arith.remsi %scan3A_49, %rem3A_53 : i32
      %mul3A = arith.constant 2 : i32
      %mul3A_55 = arith.muli %scan3A_49, %mul3A : i32
      %rem3A_56 = arith.constant 2 : i32
      %rem3A_57 = arith.remsi %scan3A_49, %rem3A_56 : i32
      %dma_wait3A = tpu.memref_slice %arg9[%rem3A_54] : memref<2x!tpu.dma_semaphore, #tpu.memory_space<semaphore_mem>> -> memref<1x!tpu.dma_semaphore, #tpu.memory_space<semaphore_mem>>
      %dma_wait3A_58 = tpu.memref_squeeze %dma_wait3A : memref<1x!tpu.dma_semaphore, #tpu.memory_space<semaphore_mem>> -> memref<!tpu.dma_semaphore, #tpu.memory_space<semaphore_mem>>
      %dma_wait3A_59 = arith.constant 0 : i32
      %dma_wait3A_60 = arith.constant 0 : i32
      %dma_wait3A_61 = arith.constant 0 : i32
      %dma_wait3A_62 = tpu.memref_slice %arg6[%rem3A_54, %dma_wait3A_59, %dma_wait3A_60, %dma_wait3A_61] : memref<2x2x1024x1024xf32, #tpu.memory_space<vmem>> -> memref<1x2x1024x1024xf32, #tpu.memory_space<vmem>>
      %dma_wait3A_63 = tpu.memref_squeeze %dma_wait3A_62 : memref<1x2x1024x1024xf32, #tpu.memory_space<vmem>> -> memref<2x1024x1024xf32, #tpu.memory_space<vmem>>
      %dma_wait3A_64 = arith.constant 0 : i32
      %dma_wait3A_65 = arith.constant 0 : i32
      %dma_wait3A_66 = tpu.memref_slice %arg2[%mul3A_55, %dma_wait3A_64, %dma_wait3A_65] : memref<64x1024x1024xf32, #tpu.memory_space<hbm>> -> memref<2x1024x1024xf32, #tpu.memory_space<hbm>>
      tpu.wait_dma2 semaphore(%dma_wait3A_58 : memref<!tpu.dma_semaphore, #tpu.memory_space<semaphore_mem>>) src(%dma_wait3A_66 : memref<2x1024x1024xf32, #tpu.memory_space<hbm>>) dst(%dma_wait3A_63 : memref<2x1024x1024xf32, #tpu.memory_space<vmem>>)
      %get3A_67 = arith.index_cast %rem3A_57 : i32 to index
      %get3A_68 = arith.constant 0 : index
      %get3A_69 = arith.constant 0 : index
      %get3A_70 = arith.constant 0 : index
      %get3A_71 = vector.load %arg6[%get3A_67, %get3A_68, %get3A_69, %get3A_70] : memref<2x2x1024x1024xf32, #tpu.memory_space<vmem>>, vector<1x1x1024x1024xf32>
      %get3A_72 = vector.shape_cast %get3A_71 : vector<1x1x1024x1024xf32> to vector<1024x1024xf32>
      %dot_general3A = arith.constant dense<0.000000e+00> : vector<128x1024xf32>
      %dot_general3A_73 = tpu.matmul %get3A_38, %get3A_72, %dot_general3A {dimension_numbers = #tpu.dot_dimension_numbers<[1], [1], [0], [0], [0, 0, 1, 0], [], []>, transpose_lhs_hint = false} : vector<128x1024xf32>, vector<1024x1024xf32>, vector<128x1024xf32> -> vector<128x1024xf32>
      %get3A_74 = arith.index_cast %rem3A_57 : i32 to index
      %get3A_75 = arith.constant 1 : index
      %get3A_76 = arith.constant 0 : index
      %get3A_77 = arith.constant 0 : index
      %get3A_78 = vector.load %arg6[%get3A_74, %get3A_75, %get3A_76, %get3A_77] : memref<2x2x1024x1024xf32, #tpu.memory_space<vmem>>, vector<1x1x1024x1024xf32>
      %get3A_79 = vector.shape_cast %get3A_78 : vector<1x1x1024x1024xf32> to vector<1024x1024xf32>
      %dot_general3A_80 = arith.constant dense<0.000000e+00> : vector<128x1024xf32>
      %dot_general3A_81 = tpu.matmul %get3A_38, %get3A_79, %dot_general3A_80 {dimension_numbers = #tpu.dot_dimension_numbers<[1], [1], [0], [0], [0, 0, 1, 0], [], []>, transpose_lhs_hint = false} : vector<128x1024xf32>, vector<1024x1024xf32>, vector<128x1024xf32> -> vector<128x1024xf32>
      %dma_wait3A_82 = tpu.memref_slice %arg10[%rem3A_54] : memref<2x!tpu.dma_semaphore, #tpu.memory_space<semaphore_mem>> -> memref<1x!tpu.dma_semaphore, #tpu.memory_space<semaphore_mem>>
      %dma_wait3A_83 = tpu.memref_squeeze %dma_wait3A_82 : memref<1x!tpu.dma_semaphore, #tpu.memory_space<semaphore_mem>> -> memref<!tpu.dma_semaphore, #tpu.memory_space<semaphore_mem>>
      %dma_wait3A_84 = arith.constant 0 : i32
      %dma_wait3A_85 = arith.constant 0 : i32
      %dma_wait3A_86 = arith.constant 0 : i32
      %dma_wait3A_87 = tpu.memref_slice %arg7[%rem3A_54, %dma_wait3A_84, %dma_wait3A_85, %dma_wait3A_86] : memref<2x2x1024x1024xf32, #tpu.memory_space<vmem>> -> memref<1x2x1024x1024xf32, #tpu.memory_space<vmem>>
      %dma_wait3A_88 = tpu.memref_squeeze %dma_wait3A_87 : memref<1x2x1024x1024xf32, #tpu.memory_space<vmem>> -> memref<2x1024x1024xf32, #tpu.memory_space<vmem>>
      %dma_wait3A_89 = arith.constant 0 : i32
      %dma_wait3A_90 = arith.constant 0 : i32
      %dma_wait3A_91 = tpu.memref_slice %arg3[%mul3A_55, %dma_wait3A_89, %dma_wait3A_90] : memref<64x1024x1024xf32, #tpu.memory_space<hbm>> -> memref<2x1024x1024xf32, #tpu.memory_space<hbm>>
      tpu.wait_dma2 semaphore(%dma_wait3A_83 : memref<!tpu.dma_semaphore, #tpu.memory_space<semaphore_mem>>) src(%dma_wait3A_91 : memref<2x1024x1024xf32, #tpu.memory_space<hbm>>) dst(%dma_wait3A_88 : memref<2x1024x1024xf32, #tpu.memory_space<vmem>>)
      %get3A_92 = arith.index_cast %rem3A_57 : i32 to index
      %get3A_93 = arith.constant 0 : index
      %get3A_94 = arith.constant 0 : index
      %get3A_95 = arith.constant 0 : index
      %get3A_96 = vector.load %arg7[%get3A_92, %get3A_93, %get3A_94, %get3A_95] : memref<2x2x1024x1024xf32, #tpu.memory_space<vmem>>, vector<1x1x1024x1024xf32>
      %get3A_97 = vector.shape_cast %get3A_96 : vector<1x1x1024x1024xf32> to vector<1024x1024xf32>
      %dot_general3A_98 = arith.constant dense<0.000000e+00> : vector<128x1024xf32>
      %dot_general3A_99 = tpu.matmul %get3A_38, %get3A_97, %dot_general3A_98 {dimension_numbers = #tpu.dot_dimension_numbers<[1], [1], [0], [0], [0, 0, 1, 0], [], []>, transpose_lhs_hint = false} : vector<128x1024xf32>, vector<1024x1024xf32>, vector<128x1024xf32> -> vector<128x1024xf32>
      %logistic3A = arith.negf %dot_general3A_73 : vector<128x1024xf32>
      %logistic3A_100 = math.exp %logistic3A : vector<128x1024xf32>
      %logistic3A_101 = arith.constant 1.000000e+00 : f32
      %logistic3A_102 = vector.broadcast %logistic3A_101 : f32 to vector<128x1024xf32>
      %logistic3A_103 = arith.addf %logistic3A_102, %logistic3A_100 : vector<128x1024xf32>
      %logistic3A_104 = arith.divf %logistic3A_102, %logistic3A_103 : vector<128x1024xf32>
      %mul3A_105 = arith.mulf %dot_general3A_73, %logistic3A_104 : vector<128x1024xf32>
      %mul3A_106 = arith.mulf %mul3A_105, %dot_general3A_99 : vector<128x1024xf32>
      %mul3A_107 = arith.constant 2 : i32
      %mul3A_108 = arith.muli %scan3A_49, %mul3A_107 : i32
      %add3A_109 = arith.constant 0 : i32
      %add3A_110 = arith.addi %mul3A_108, %add3A_109 : i32
      %convert_element_type3A_111 = arith.sitofp %add3A_110 : i32 to f32
      %eq3A = vector.broadcast %convert_element_type3A_111 : f32 to vector<128x1xf32>
      %eq3A_112 = arith.cmpf oeq, %slice3A, %eq3A : vector<128x1xf32>
      %jit3A = arith.constant 0.000000e+00 : f32
      %broadcast_in_dim3A_113 = vector.broadcast %jit3A : f32 to vector<128x1xf32>
      %select_n3A = arith.select %eq3A_112, %slice3A_43, %broadcast_in_dim3A_113 : vector<128x1xi1>, vector<128x1xf32>
      %eq3A_114 = vector.broadcast %convert_element_type3A_111 : f32 to vector<128x1xf32>
      %eq3A_115 = arith.cmpf oeq, %slice3A_42, %eq3A_114 : vector<128x1xf32>
      %jit3A_116 = arith.constant 0.000000e+00 : f32
      %broadcast_in_dim3A_117 = vector.broadcast %jit3A_116 : f32 to vector<128x1xf32>
      %select_n3A_118 = arith.select %eq3A_115, %slice3A_44, %broadcast_in_dim3A_117 : vector<128x1xi1>, vector<128x1xf32>
      %add3A_119 = arith.addf %select_n3A, %select_n3A_118 : vector<128x1xf32>
      %mul3A_120 = vector.broadcast %add3A_119 : vector<128x1xf32> to vector<128x1024xf32>
      %mul3A_121 = arith.mulf %mul3A_106, %mul3A_120 : vector<128x1024xf32>
      %get3A_122 = arith.index_cast %rem3A_57 : i32 to index
      %get3A_123 = arith.constant 1 : index
      %get3A_124 = arith.constant 0 : index
      %get3A_125 = arith.constant 0 : index
      %get3A_126 = vector.load %arg7[%get3A_122, %get3A_123, %get3A_124, %get3A_125] : memref<2x2x1024x1024xf32, #tpu.memory_space<vmem>>, vector<1x1x1024x1024xf32>
      %get3A_127 = vector.shape_cast %get3A_126 : vector<1x1x1024x1024xf32> to vector<1024x1024xf32>
      %dot_general3A_128 = arith.constant dense<0.000000e+00> : vector<128x1024xf32>
      %dot_general3A_129 = tpu.matmul %get3A_38, %get3A_127, %dot_general3A_128 {dimension_numbers = #tpu.dot_dimension_numbers<[1], [1], [0], [0], [0, 0, 1, 0], [], []>, transpose_lhs_hint = false} : vector<128x1024xf32>, vector<1024x1024xf32>, vector<128x1024xf32> -> vector<128x1024xf32>
      %logistic3A_130 = arith.negf %dot_general3A_81 : vector<128x1024xf32>
      %logistic3A_131 = math.exp %logistic3A_130 : vector<128x1024xf32>
      %logistic3A_132 = arith.constant 1.000000e+00 : f32
      %logistic3A_133 = vector.broadcast %logistic3A_132 : f32 to vector<128x1024xf32>
      %logistic3A_134 = arith.addf %logistic3A_133, %logistic3A_131 : vector<128x1024xf32>
      %logistic3A_135 = arith.divf %logistic3A_133, %logistic3A_134 : vector<128x1024xf32>
      %mul3A_136 = arith.mulf %dot_general3A_81, %logistic3A_135 : vector<128x1024xf32>
      %mul3A_137 = arith.mulf %mul3A_136, %dot_general3A_129 : vector<128x1024xf32>
      %mul3A_138 = arith.constant 2 : i32
      %mul3A_139 = arith.muli %scan3A_49, %mul3A_138 : i32
      %add3A_140 = arith.constant 1 : i32
      %add3A_141 = arith.addi %mul3A_139, %add3A_140 : i32
      %convert_element_type3A_142 = arith.sitofp %add3A_141 : i32 to f32
      %eq3A_143 = vector.broadcast %convert_element_type3A_142 : f32 to vector<128x1xf32>
      %eq3A_144 = arith.cmpf oeq, %slice3A, %eq3A_143 : vector<128x1xf32>
      %jit3A_145 = arith.constant 0.000000e+00 : f32
      %broadcast_in_dim3A_146 = vector.broadcast %jit3A_145 : f32 to vector<128x1xf32>
      %select_n3A_147 = arith.select %eq3A_144, %slice3A_43, %broadcast_in_dim3A_146 : vector<128x1xi1>, vector<128x1xf32>
      %eq3A_148 = vector.broadcast %convert_element_type3A_142 : f32 to vector<128x1xf32>
      %eq3A_149 = arith.cmpf oeq, %slice3A_42, %eq3A_148 : vector<128x1xf32>
      %jit3A_150 = arith.constant 0.000000e+00 : f32
      %broadcast_in_dim3A_151 = vector.broadcast %jit3A_150 : f32 to vector<128x1xf32>
      %select_n3A_152 = arith.select %eq3A_149, %slice3A_44, %broadcast_in_dim3A_151 : vector<128x1xi1>, vector<128x1xf32>
      %add3A_153 = arith.addf %select_n3A_147, %select_n3A_152 : vector<128x1xf32>
      %mul3A_154 = vector.broadcast %add3A_153 : vector<128x1xf32> to vector<128x1024xf32>
      %mul3A_155 = arith.mulf %mul3A_137, %mul3A_154 : vector<128x1024xf32>
      %dma_wait3A_156 = tpu.memref_slice %arg11[%rem3A_54] : memref<2x!tpu.dma_semaphore, #tpu.memory_space<semaphore_mem>> -> memref<1x!tpu.dma_semaphore, #tpu.memory_space<semaphore_mem>>
      %dma_wait3A_157 = tpu.memref_squeeze %dma_wait3A_156 : memref<1x!tpu.dma_semaphore, #tpu.memory_space<semaphore_mem>> -> memref<!tpu.dma_semaphore, #tpu.memory_space<semaphore_mem>>
      %dma_wait3A_158 = arith.constant 0 : i32
      %dma_wait3A_159 = arith.constant 0 : i32
      %dma_wait3A_160 = arith.constant 0 : i32
      %dma_wait3A_161 = tpu.memref_slice %arg8[%rem3A_54, %dma_wait3A_158, %dma_wait3A_159, %dma_wait3A_160] : memref<2x2x1024x1024xf32, #tpu.memory_space<vmem>> -> memref<1x2x1024x1024xf32, #tpu.memory_space<vmem>>
      %dma_wait3A_162 = tpu.memref_squeeze %dma_wait3A_161 : memref<1x2x1024x1024xf32, #tpu.memory_space<vmem>> -> memref<2x1024x1024xf32, #tpu.memory_space<vmem>>
      %dma_wait3A_163 = arith.constant 0 : i32
      %dma_wait3A_164 = arith.constant 0 : i32
      %dma_wait3A_165 = tpu.memref_slice %arg4[%mul3A_55, %dma_wait3A_163, %dma_wait3A_164] : memref<64x1024x1024xf32, #tpu.memory_space<hbm>> -> memref<2x1024x1024xf32, #tpu.memory_space<hbm>>
      tpu.wait_dma2 semaphore(%dma_wait3A_157 : memref<!tpu.dma_semaphore, #tpu.memory_space<semaphore_mem>>) src(%dma_wait3A_165 : memref<2x1024x1024xf32, #tpu.memory_space<hbm>>) dst(%dma_wait3A_162 : memref<2x1024x1024xf32, #tpu.memory_space<vmem>>)
      %get3A_166 = arith.index_cast %rem3A_57 : i32 to index
      %get3A_167 = arith.constant 0 : index
      %get3A_168 = arith.constant 0 : index
      %get3A_169 = arith.constant 0 : index
      %get3A_170 = vector.load %arg8[%get3A_166, %get3A_167, %get3A_168, %get3A_169] : memref<2x2x1024x1024xf32, #tpu.memory_space<vmem>>, vector<1x1x1024x1024xf32>
      %get3A_171 = vector.shape_cast %get3A_170 : vector<1x1x1024x1024xf32> to vector<1024x1024xf32>
      %dot_general3A_172 = arith.constant dense<0.000000e+00> : vector<128x1024xf32>
      %dot_general3A_173 = tpu.matmul %mul3A_121, %get3A_171, %dot_general3A_172 {dimension_numbers = #tpu.dot_dimension_numbers<[1], [1], [0], [0], [0, 0, 1, 0], [], []>, transpose_lhs_hint = false} : vector<128x1024xf32>, vector<1024x1024xf32>, vector<128x1024xf32> -> vector<128x1024xf32>
      %get3A_174 = arith.index_cast %rem3A_57 : i32 to index
      %get3A_175 = arith.constant 1 : index
      %get3A_176 = arith.constant 0 : index
      %get3A_177 = arith.constant 0 : index
      %get3A_178 = vector.load %arg8[%get3A_174, %get3A_175, %get3A_176, %get3A_177] : memref<2x2x1024x1024xf32, #tpu.memory_space<vmem>>, vector<1x1x1024x1024xf32>
      %get3A_179 = vector.shape_cast %get3A_178 : vector<1x1x1024x1024xf32> to vector<1024x1024xf32>
      %dot_general3A_180 = arith.constant dense<0.000000e+00> : vector<128x1024xf32>
      %dot_general3A_181 = tpu.matmul %mul3A_155, %get3A_179, %dot_general3A_180 {dimension_numbers = #tpu.dot_dimension_numbers<[1], [1], [0], [0], [0, 0, 1, 0], [], []>, transpose_lhs_hint = false} : vector<128x1024xf32>, vector<1024x1024xf32>, vector<128x1024xf32> -> vector<128x1024xf32>
      %add3A_182 = arith.addf %dot_general3A_173, %dot_general3A_181 : vector<128x1024xf32>
      %get3A_183 = arith.constant 0 : index
      %get3A_184 = arith.constant 0 : index
      %get3A_185 = vector.load %arg5[%get3A_183, %get3A_184] : memref<128x1024xf32, #tpu.memory_space<vmem>>, vector<128x1024xf32>
      %add3A_186 = arith.addf %get3A_185, %add3A_182 : vector<128x1024xf32>
      %swap3A_187 = arith.constant 0 : index
      %swap3A_188 = arith.constant 0 : index
      %swap3A_189 = vector.load %arg5[%swap3A_187, %swap3A_188] : memref<128x1024xf32, #tpu.memory_space<vmem>>, vector<128x1024xf32>
      tpu.vector_store %arg5[%swap3A_187, %swap3A_188], %add3A_186 {strides = array<i32>} : memref<128x1024xf32, #tpu.memory_space<vmem>>, vector<128x1024xf32>,
    }
    %scan3A_48 = arith.constant 32 : i32
    return
  }
}

</mosaic_0001>

<sc_bundles>
// kernel: kernel.4.cloned.1.call-start
scs
__scs_entry_jumppad:
0x0: {  	(pc) =	sbr.rel $0x88, $3  }
0x1: {  	(tag) =	ssettag $0x0;
	lr =	simm.s32 $0x1  }
0x2: {  	[smem:$0x3F9C] =	sst lr;
	_ =	strace $0xD0000000  }
0x3: {  	_ = 	snop  }
0x4: {  	_ = 	snop  }
0x5: {  	_ = 	snop  }
0x6: {  	_ = 	snop  }
0x7: {  	_ = 	snop  }
__scs_overlays_trampoline_lowered:
0x8: {  	[smem:$0x3FAB] =	sst s0  }
0x9: {  	[smem:$0x3FAC] =	sst s1  }
0xa: {  	[smem:$0x3FAD] =	sst s2  }
0xb: {  	[smem:$0x3FAE] =	sst s3  }
0xc: {  	[smem:$0x3FAF] =	sst s4  }
0xd: {  	[smem:$0x3FB0] =	sst s5  }
0xe: {  	[smem:$0x3FB1] =	sst s6  }
0xf: {  	[smem:$0x3FB2] =	sst s7  }
0x10: {  	[smem:$0x3FB3] =	sst s8  }
0x11: {  	[smem:$0x3FB4] =	sst s9;
	s0 =	simm.s32 @!p0 $0x0  }
0x12: {  	s1 =	sld [smem:$0x3F9A];
	s0 =	simm.s32 @p0 $0x1  }
0x13: {  	[smem:$0x3FB5] =	sst s0;
	s0 =	simm.s32 @!p1 $0x0  }
0x14: {  	s2 =	sld [smem:$0x3F99];
	s0 =	simm.s32 @p1 $0x1  }
0x15: {  	[smem:$0x3FB6] =	sst s0;
	s0 =	simm.s32 @!p2 $0x0  }
0x16: {  	s3 =	sld [smem:$0x3FDB];
	s0 =	simm.s32 @p2 $0x1  }
0x17: {  	s4 =	simm.s32 $0x1BF5;
	[smem:$0x3FB8] =	sst s0  }
0x18: {  	s0 =	sld [smem:$0x3F9B];
	_ =	swait.ge [sflag:s4], $0x0  }
0x19: {  	s7 =	sld [smem:$0x3F9C]  }
0x1a: {  	s8 =	sadd.s32 $0xFFFFE003, lr  }
0x1b: {  	s9 =	sadd.s32 $0xFFFFFEF7, lr;
	s5 =	simm.s32 $0xFFFFFFFF;
	p2 =	slt.u32 s8, $0xFFFFF086  }
0x1c: {  	p1 =	slt.u32 s9, $0xF7A;
	s5 =	simm.s32 @!p2 $0x0  }
0x1d: {  	s5 =	simm.s32 @p1 $0x1;
	p0 =	seq.s32 s7, s2  }
0x1e: {  	s7 =	smul.u32 @!p0 $0xF7A, s2;
	p2 =	seq.s32 @!p0 s5, $0x0  }
0x1f: {  	s9 =	smul.u32 $0xF7A, s1;
	s8 =	simm.s32 @!p0 $0x1BF5;
	p2 =	por !p2, p0  }
0x20: {  	[sflag:s8] =	ssyncset.s32 @!p0 $0xFFFFF086;
	s6 =	sadd.s32 @!p0 s3, s7;
	s7 =	simm.s32 @!p0 $0x108  }
0x21: {  	s3 =	sadd.s32 s3, s9;
	s6 =	sadd.s32 @!p0 $0x88, s6;
	s7 =	simm.s32 @p2 $0x1082  }
0x22: {  	[simem:s7], [sflag:s8] =	dma.local @!p0 [hbm:s6], $0xF7A  }
0x23: {  	s9 =	sor.u32 $0xD0000000, s2;
	s6 =	simm.s32 $0x108;
	_ =	swait.ge @!p0 [sflag:s8], $0x0  }
0x24: {  	s3 =	sadd.s32 $0x88, s3;
	s6 =	simm.s32 @!p1 $0x1082;
	[sflag:s4] =	ssyncset.s32 $0xFFFFF086  }
0x25: {  	[simem:s6], [sflag:s4] =	dma.local [hbm:s3], $0xF7A  }
0x26: {  	[smem:$0x3F9C] =	sst s1;
	(tag) =	ssettag s2;
	_ =	strace s9  }
0x27: {  	s1 =	sld [smem:$0x3FAC]  }
0x28: {  	s2 =	sld [smem:$0x3FAD]  }
0x29: {  	s4 =	sld [smem:$0x3FAF]  }
0x2a: {  	p0 =	seq.s32 s5, $0x0;
	s5 =	sld [smem:$0x3FB0]  }
0x2b: {  	s6 =	sld [smem:$0x3FB1]  }
0x2c: {  	s7 =	sld [smem:$0x3FB2]  }
0x2d: {  	s3 =	simm.s32 $0x108;
	s8 =	sld [smem:$0x3FB3]  }
0x2e: {  	s3 =	simm.s32 @!p0 $0x1082;
	s9 =	sld [smem:$0x3FB4]  }
0x2f: {  	lr =	sadd.s32 s0, s3;
	s0 =	sld [smem:$0x3FAB]  }
0x30: {  	s3 =	sld [smem:$0x3FAE]  }
0x31: {  	[smem:$0x3FB7] =	sst s10  }
0x32: {  	s10 =	sld [smem:$0x3FB5];
	_ =	sdelay $0x3  }
0x33: {  	p0 =	seq.s32 s10, $0x1;
	s10 =	sld [smem:$0x3FB7];
	_ =	sdelay $0x3  }
0x34: {  	[smem:$0x3FB7] =	sst s10  }
0x35: {  	s10 =	sld [smem:$0x3FB6];
	_ =	sdelay $0x3  }
0x36: {  	p1 =	seq.s32 s10, $0x1;
	s10 =	sld [smem:$0x3FB7];
	_ =	sdelay $0x3  }
0x37: {  	[smem:$0x3FB7] =	sst s10  }
0x38: {  	s10 =	sld [smem:$0x3FB8]  }
0x39: {  	_ = 	snop;
	(pc) =	sbr.ind lr, $3  }
0x3a: {  	_ = 	snop  }
0x3b: {  	_ = 	snop  }
0x3c: {  	p2 =	seq.s32 s10, $0x1;
	s10 =	sld [smem:$0x3FB7]  }
0x3d: {  	_ =	shalt  }
0x3e: {  	_ =	shalt  }
0x3f: {  	_ =	shalt  }
0x40: {  	_ =	shalt  }
0x41: {  	_ =	shalt  }
0x42: {  	_ =	shalt  }
0x43: {  	_ =	shalt  }
0x44: {  	_ =	shalt  }
0x45: {  	_ =	shalt  }
0x46: {  	_ =	shalt  }
0x47: {  	_ =	shalt  }
0x48: {  	_ =	shalt  }
0x49: {  	_ =	shalt  }
0x4a: {  	_ =	shalt  }
0x4b: {  	_ =	shalt  }
0x4c: {  	_ =	shalt  }
0x4d: {  	_ =	shalt  }
0x4e: {  	_ =	shalt  }
0x4f: {  	_ =	shalt  }
0x50: {  	_ =	shalt  }
0x51: {  	_ =	shalt  }
0x52: {  	_ =	shalt  }
0x53: {  	_ =	shalt  }
0x54: {  	_ =	shalt  }
0x55: {  	_ =	shalt  }
0x56: {  	_ =	shalt  }
0x57: {  	_ =	shalt  }
0x58: {  	_ =	shalt  }
0x59: {  	_ =	shalt  }
0x5a: {  	_ =	shalt  }
0x5b: {  	_ =	shalt  }
0x5c: {  	_ =	shalt  }
0x5d: {  	_ =	shalt  }
0x5e: {  	_ =	shalt  }
0x5f: {  	_ =	shalt  }
0x60: {  	_ =	shalt  }
0x61: {  	_ =	shalt  }
0x62: {  	_ =	shalt  }
0x63: {  	_ =	shalt  }
0x64: {  	_ =	shalt  }
0x65: {  	_ =	shalt  }
0x66: {  	_ =	shalt  }
0x67: {  	_ =	shalt  }
0x68: {  	_ =	shalt  }
0x69: {  	_ =	shalt  }
0x6a: {  	_ =	shalt  }
0x6b: {  	_ =	shalt  }
0x6c: {  	_ =	shalt  }
0x6d: {  	_ =	shalt  }
0x6e: {  	_ =	shalt  }
0x6f: {  	_ =	shalt  }
0x70: {  	_ =	shalt  }
0x71: {  	_ =	shalt  }
0x72: {  	_ =	shalt  }
0x73: {  	_ =	shalt  }
0x74: {  	_ =	shalt  }
0x75: {  	_ =	shalt  }
0x76: {  	_ =	shalt  }
0x77: {  	_ =	shalt  }
0x78: {  	_ =	shalt  }
0x79: {  	_ =	shalt  }
0x7a: {  	_ =	shalt  }
0x7b: {  	_ =	shalt  }
0x7c: {  	_ =	shalt  }
0x7d: {  	_ =	shalt  }
0x7e: {  	_ =	shalt  }
0x7f: {  	_ =	shalt  }
0x80: {  	_ =	shalt  }
0x81: {  	_ =	shalt  }
0x82: {  	_ =	shalt  }
0x83: {  	_ =	shalt  }
0x84: {  	_ =	shalt  }
0x85: {  	_ =	shalt  }
0x86: {  	_ =	shalt  }
0x87: {  	_ =	shalt  }
.Lfunc_end0:
.L_simem_size_0:
called_computation_lowered:
.L_overlay_start_0:
0x88: {  	s2 =	sld [smem:$0x3FD9]  }
0x89: {  	s3 =	sld [smem:$0x3FFE];
	_ =	sdelay $0x1  }
0x8a: {  	s1 =	srdreg.scid  }
0x8b: {  	s0 =	sand.u32 $0x1, s1  }
0x8c: {  	s17 =	sshll.u32 s0, $0xA;
	s2 =	sadd.s32 s3, s2  }
0x8d: {  	s2 =	sadd.s32 s2, s17  }
0x8e: {  	[smem:$0x3FC3] =	sst s2  }
0x8f: {  	_ = 	snop  }
0x90: {  	s2 =	sld [smem:$0x3FD0];
	(tm) =	ssettm $0x1  }
0x91: {  	s18 =	sld [smem:$0x3FFB];
	_ =	sdelay $0x3  }
0x92: {  	_ =	strace s18  }
0x93: {  	s3 =	sld [smem:$0x3FFC];
	_ =	sdelay $0x3  }
0x94: {  	_ =	strace s3  }
0x95: {  	s3 =	sld [smem:$0x3FFD];
	_ =	sdelay $0x3  }
0x96: {  	_ =	strace s3  }
0x97: {  	_ =	strace $0x8FFFFFFF  }
0x98: {  	s19 =	sld [smem:$0x3FDB];
	_ =	sdelay $0x1  }
0x99: {  	s4 =	simm.s32 $_scs_section_size  }
0x9a: {  	s5 =	simm.s32 $_size__tile_overlayer_lowered;
	s6 =	simm.s32 $_tile_overlayer_lowered  }
0x9b: {  	s22 =	simm.s32 $0x1BFF;
	s21 =	sshll.u32 s6, $0x1;
	s3 =	sadd.s32 s4, s19  }
0x9c: {  	s7 =	simm.s32 $0x0;
	s20 =	sshll.u32 s5, $0x1;
	s5 =	sadd.s32 s21, s3  }
0x9d: {  	[timem:s7], [sflag:s22] =	dma.local [hbm:s5], s20  }
0x9e: {  	_ =	swait.ge [sflag:s22], s20  }
0x9f: {  	s4 =	ssub.s32 $0x0, s20;
	[sflag:s22] =	ssyncset.done $0x0  }
0xa0: {  	[sflag:s22] =	ssyncadd.s32 s4;
	_ =	sdelay $0x1  }
0xa1: {  	s23 =	simm.s32 $0x1B8B  }
0xa2: {  	_ =	swait.ge [sflag:s23], $0x1  }
0xa3: {  	[sflag:s23] =	ssyncset.done $0x0  }
0xa4: {  	s25 =	simm.s32 $0x1B8E;
	s24 =	sld [smem:$0x3FFE];
	[sflag:s23] =	ssyncadd.s32 $0xFFFFFFFF  }
0xa5: {  	s26 =	simm.s32 $execute0_lowered;
	[smem:$0x3FD2] =	sst s25  }
0xa6: {  	s5 =	sshll.u32 s26, $0x1;
	_ =	strace $0x80000046;
	[dreg:$0x1] =	wrdreg $0xFFFFFFFF  }
0xa7: {  	s28 =	simm.s32 $_size_execute0_lowered;
	s3 =	sadd.s32 s3, s5;
	[dreg:$0x0] =	wrdreg $0x0  }
0xa8: {  	s5 =	sshll.u32 s28, $0x1;
	[dreg:$0x2] =	wrdreg s3  }
0xa9: {  	[dreg:$0x3] =	wrdreg s5  }
0xaa: {  	[dreg:$0x4] =	wrdreg $0xC0  }
0xab: {  	_ =	task [dreg:s7], $0x5FFFF  }
0xac: {  	[dreg:$0x1] =	wrdreg $0xFFFFFFFF  }
0xad: {  	[dreg:$0x0] =	wrdreg $0x60  }
0xae: {  	[dreg:$0x2] =	wrdreg s2  }
0xaf: {  	[dreg:$0x3] =	wrdreg s24  }
0xb0: {  	[dreg:$0x4] =	wrdreg $0x9  }
0xb1: {  	_ =	task.clear_ibuf [dreg:s7], $0x5FFFF;
	_ =	strace $0x90000046  }
0xb2: {  	s29 =	simm.s32 $0x9;
	_ =	strace $0x80000048  }
0xb3: {  	_ =	swait.ge [sflag:s29], $0x1  }
0xb4: {  	[sflag:s29] =	ssyncadd.s32 $0xFFFFFFFF  }
0xb5: {  	_ =	strace $0x90000048  }
0xb6: {  	_ =	sfence  }
0xb7: {  	s30 =	sld [smem:$0x0];
	_ =	sdelay $0x2  }
0xb8: {  	s31 =	sshll.u32 s1, $0xD;
	s1 =	sshrl.u32 s1, $0x2  }
0xb9: {  	s3 =	sand.u32 $0x4000, s31;
	s1 =	sadd.s32 s1, s30  }
0xba: {  	s0 =	sor.u32 s3, s0;
	s1 =	sshll.u32 s1, $0x11  }
0xbb: {  	s0 =	sor.u32 s1, s0  }
0xbc: {  	s0 =	sadd.s32 $0x8F2B, s0  }
0xbd: {  	[sflag:s0] =	ssyncadd.remote.s32 $0x1  }
0xbe: {  	_ =	sfence.sel $0xFFFF  }
0xbf: {  	[dreg:$0x0] =	wrdreg $0xFFFFFFFF;
	(pc) =	sbr.abs _section_cstart, $3  }
0xc0: {  	[dreg:$0x1] =	wrdreg $0xFFFFFFFF  }
0xc1: {  	_ =	task.clear_ibuf [dreg:s7], $0x2FFFF;
	_ =	strace $0x9FFFFFFF  }
0xc2: {  	(tm) =	ssettm $0x7FFFFFFF  }
0xc3: {  	_ =	shalt  }
tec
execute0_lowered:
.L_overlay_start_1:
0x0: {  	(tag) =	ssettag $0x1  }
0x1: {  	s3 =	rddreg [dreg:$0x0]  }
0x2: {  	s2 =	rddreg [dreg:$0x1]  }
0x3: {  	s0 =	rddreg [dreg:$0x2];
	s1 =	simm.s32 $0x0  }
0x4: {  	s4 =	srdreg.scid;
	[smem:$0x7FF] =	sst s1  }
0x5: {  	s31 =	simm.s32 $0x200;
	s4 =	sand.u32 $0x1, s4;
	_ =	strace $0x80000047  }
0x6: {  	v0 =	vlaneseq.u32;
	vm0 =	vcmask $0x704;
	s5 =	sshll.u32 s4, $0x1;
	s6 =	sshll.u32 s4, $0x6;
	s4 =	ssub.s32 $0x2, s4  }
0x7: {  	vm1 =	vmmov $0x3;
	vm2 =	vmmov $0x7;
	vm3 =	vmmov $0x3f;
	[dreg:$0x5] =	wrdreg s31;
	s5 =	sadd.s32 s5, s2;
	s2 =	stileid.u32  }
0x8: {  	vm4 =	vmmov $0x7f;
	vm5 =	vmmov $0x3ff;
	vm6 =	vmmov $0x7ff;
	s3 =	sadd.s32 s3, s6;
	s7 =	sshll.u32 s2, $0x7;
	s28 =	sshll.u32 s2, $0x2  }
0x9: {  	vm7 =	vmmov $0x3fff;
	vm8 =	vmmov $0x7fff;
	v2 =	vor.u32 $0x80000010, v0;
	s29 =	sshrl.u32 s4, $0x1;
	s3 =	sadd.s32 s7, s3;
	s5 =	sadd.s32 s28, s5  }
0xa: {  	v1 =	vor.u32 $0x80000000, v0;
	v3 =	vor.u32 $0x80000020, v0;
	v4 =	vor.u32 $0x80000030, v0;
	s4 =	ssub.s32 s4, s29;
	[dreg:$0x3] =	wrdreg s3;
	s30 =	sadd.s32 $0x400, s5  }
0xb: {  	v5 =	vor.u32 $0x10, v0;
	v6 =	vor.u32 $0x20, v0;
	v7 =	vor.u32 $0x30, v0;
	s3 =	smax.u32 s4, $0x1;
	s4 =	simm.s32 $0x1;
	[dreg:$0x4] =	wrdreg s30  }
.LBB2_1:
0xc: {  	s5 =	rddreg [dreg:$0x3]  }
0xd: {  	[tilespmem:s1], [sflag:$0x1] =	stream.linear.gather [hbm4b:s5+s1], $0x200, $0x38;
	[tilespmem:$0x280] =	vst v63  }
0xe: {  	_ =	swait.ge [sflag:s4], $0x200  }
0xf: {  	[sflag:s4] =	ssyncset.done $0x0  }
0x10: {  	[sflag:s4] =	ssyncadd.s32 $0xFFFFFE00  }
0x11: {  	v8 =	vld [tilespmem:$0x0]  }
0x12: {  	v9 =	vld [tilespmem:$0x10]  }
0x13: {  	v10 =	vld [tilespmem:$0x20]  }
0x14: {  	v11 =	vld [tilespmem:$0x30];
	_ =	sdelay $0x2  }
0x15: {  	v12 =	vmax.f32 v8, v9  }
0x16: {  	v12 =	vmax.f32 v12, v10  }
0x17: {  	v12 =	vmax.f32 v12, v11  }
0x18: {  	(xrf0) =	vmax.scan.msk.f32 $0xffff, v12;
	_ =	sdelay $0x5  }
0x19: {  	v12, _, _ =	vpop (xrf0)  }
0x1a: {  	v13 =	vbroadcast v12, $0xF;
	_ =	sdelay $0x1  }
0x1b: {  	vm9 =	veq.f32 v8, v13  }
0x1c: {  	v14 =	vnsel vm9, $0x80000040, v1;
	vm9 =	veq.f32 v9, v13  }
0x1d: {  	(xrf0) =	vmin.scan.msk.u32 $0xffff, v14;
	v18 =	vnsel vm9, $0x80000040, v2  }
0x1e: {  	vm9 =	veq.f32 v10, v13;
	(xrf0) =	vmin.scan.msk.u32 $0xffff, v18  }
0x1f: {  	v19 =	vnsel vm9, $0x80000040, v3  }
0x20: {  	vm9 =	veq.f32 v11, v13;
	(xrf0) =	vmin.scan.msk.u32 $0xffff, v19  }
0x21: {  	v13 =	vnsel vm9, $0x80000040, v4  }
0x22: {  	(xrf0) =	vmin.scan.msk.u32 $0xffff, v13  }
0x23: {  	(v2sf) =	vpush v12, $0xF;
	v20, _, _ =	vpop (xrf0)  }
0x24: {  	(v2sf) =	vpush v20, $0xF;
	v21, _, _ =	vpop (xrf0)  }
0x25: {  	(v2sf) =	vpush v21, $0xF  }
0x26: {  	v22, _, _ =	vpop (xrf0)  }
0x27: {  	(v2sf) =	vpush v22, $0xF  }
0x28: {  	v23, _, _ =	vpop (xrf0)  }
0x29: {  	(v2sf) =	vpush v23, $0xF;
	_ =	sdelay $0x8  }
0x2a: {  	s8 =	spop (v2sf)  }
0x2b: {  	s22 =	spop (v2sf)  }
0x2c: {  	s6 =	spop (v2sf)  }
0x2d: {  	s5 =	sxor.u32 $0x80000000, s22;
	s6 =	sxor.u32 $0x80000000, s6  }
0x2e: {  	s7 =	spop (v2sf);
	p0 =	slt.s32 s5, s6  }
0x2f: {  	s7 =	sxor.u32 $0x80000000, s7;
	s6 =	smov.u32 @p0 s5  }
0x30: {  	s23 =	spop (v2sf);
	p0 =	slt.s32 s6, s7  }
0x31: {  	s5 =	sxor.u32 $0x80000000, s23;
	s7 =	smov.u32 @p0 s6  }
0x32: {  	p0 =	slt.s32 s7, s5  }
0x33: {  	s5 =	smov.u32 @p0 s7  }
0x34: {  	p0 =	slt.s32 s5, $0x40  }
0x35: {  	s5 =	simm.s32 @!p0 $0x40  }
0x36: {  	v24 =	vmov s5  }
0x37: {  	vm9 =	veq.s32 v24, v0;
	vm10 =	veq.s32 v24, v5  }
0x38: {  	v8 =	vsel vm9, $0xFF7FFFFF, v8;
	v9 =	vsel vm10, $0xFF7FFFFF, v9;
	vm9 =	veq.s32 v24, v6  }
0x39: {  	v10 =	vsel vm9, $0xFF7FFFFF, v10;
	vm9 =	veq.s32 v24, v7;
	v25 =	vmax.f32 v8, v9  }
0x3a: {  	v11 =	vsel vm9, $0xFF7FFFFF, v11;
	v12 =	vmax.f32 v25, v10  }
0x3b: {  	v12 =	vmax.f32 v12, v11  }
0x3c: {  	(xrf0) =	vmax.scan.msk.f32 $0xffff, v12;
	_ =	sdelay $0x5  }
0x3d: {  	v26 =	vld [tilespmem:$0x80];
	v12, _, _ =	vpop (xrf0)  }
0x3e: {  	v15 =	vld [tilespmem:$0x90];
	v27 =	vbroadcast v12, $0xF  }
0x3f: {  	v16 =	vld [tilespmem:$0xA0]  }
0x40: {  	vm9 =	veq.f32 v8, v27;
	v8 =	vld [tilespmem:$0xB0]  }
0x41: {  	v17 =	vnsel vm9, $0x80000040, v1;
	vm9 =	veq.f32 v9, v27  }
0x42: {  	(xrf0) =	vmin.scan.msk.u32 $0xffff, v17;
	v9 =	vnsel vm9, $0x80000040, v2;
	vm9 =	veq.f32 v10, v27  }
0x43: {  	v29 =	vmax.f32 v26, v15;
	(xrf0) =	vmin.scan.msk.u32 $0xffff, v9;
	v28 =	vnsel vm9, $0x80000040, v3;
	vm9 =	veq.f32 v11, v27  }
0x44: {  	v10 =	vmax.f32 v29, v16;
	(xrf0) =	vmin.scan.msk.u32 $0xffff, v28;
	v30 =	vnsel vm9, $0x80000040, v4  }
0x45: {  	(xrf0) =	vmin.scan.msk.u32 $0xffff, v30;
	v31 =	vmax.f32 v10, v8  }
0x46: {  	(xrf0) =	vmax.scan.msk.f32 $0xffff, v31;
	_ =	sdelay $0x1  }
0x47: {  	v32, _, _ =	vpop (xrf0)  }
0x48: {  	v33, _, _ =	vpop (xrf0)  }
0x49: {  	v34, _, _ =	vpop (xrf0)  }
0x4a: {  	v35, _, _ =	vpop (xrf0)  }
0x4b: {  	v36, _, _ =	vpop (xrf0)  }
0x4c: {  	v18 =	vbroadcast v36, $0xF;
	_ =	sdelay $0x1  }
0x4d: {  	vm9 =	veq.f32 v26, v18  }
0x4e: {  	v19 =	vnsel vm9, $0x80000040, v1;
	vm9 =	veq.f32 v15, v18  }
0x4f: {  	(xrf0) =	vmin.scan.msk.u32 $0xffff, v19;
	v37 =	vnsel vm9, $0x80000040, v2  }
0x50: {  	(v2sf) =	vpush v12, $0xF;
	vm9 =	veq.f32 v16, v18;
	(xrf0) =	vmin.scan.msk.u32 $0xffff, v37  }
0x51: {  	(v2sf) =	vpush v32, $0xF;
	v38 =	vnsel vm9, $0x80000040, v3  }
0x52: {  	(v2sf) =	vpush v33, $0xF;
	vm9 =	veq.f32 v8, v18;
	(xrf0) =	vmin.scan.msk.u32 $0xffff, v38  }
0x53: {  	(v2sf) =	vpush v34, $0xF;
	v39 =	vnsel vm9, $0x80000040, v4  }
0x54: {  	(v2sf) =	vpush v35, $0xF;
	(xrf0) =	vmin.scan.msk.u32 $0xffff, v39  }
0x55: {  	(v2sf) =	vpush v36, $0xF;
	v40, _, _ =	vpop (xrf0)  }
0x56: {  	(v2sf) =	vpush v40, $0xF;
	v41, _, _ =	vpop (xrf0)  }
0x57: {  	(v2sf) =	vpush v41, $0xF  }
0x58: {  	v42, _, _ =	vpop (xrf0)  }
0x59: {  	(v2sf) =	vpush v42, $0xF  }
0x5a: {  	v43, _, _ =	vpop (xrf0)  }
0x5b: {  	(v2sf) =	vpush v43, $0xF;
	_ =	sdelay $0x3  }
0x5c: {  	s16 =	spop (v2sf)  }
0x5d: {  	s10 =	spop (v2sf)  }
0x5e: {  	s11 =	spop (v2sf)  }
0x5f: {  	s9 =	spop (v2sf)  }
0x60: {  	s7 =	spop (v2sf)  }
0x61: {  	s13 =	spop (v2sf)  }
0x62: {  	s24 =	spop (v2sf)  }
0x63: {  	s12 =	spop (v2sf)  }
0x64: {  	s6 =	sxor.u32 $0x80000000, s24;
	s12 =	sxor.u32 $0x80000000, s12  }
0x65: {  	s14 =	spop (v2sf);
	p0 =	slt.s32 s6, s12  }
0x66: {  	s14 =	sxor.u32 $0x80000000, s14;
	s12 =	smov.u32 @p0 s6  }
0x67: {  	s25 =	spop (v2sf);
	p0 =	slt.s32 s12, s14  }
0x68: {  	s6 =	sxor.u32 $0x80000000, s25;
	s14 =	smov.u32 @p0 s12  }
0x69: {  	p0 =	slt.s32 s14, s6  }
0x6a: {  	s6 =	smov.u32 @p0 s14  }
0x6b: {  	p0 =	slt.s32 s6, $0x40  }
0x6c: {  	s6 =	simm.s32 @!p0 $0x40  }
0x6d: {  	v44 =	vmov s6  }
0x6e: {  	vm9 =	veq.s32 v44, v0;
	vm10 =	veq.s32 v44, v5  }
0x6f: {  	v45 =	vsel vm9, $0xFF7FFFFF, v26;
	v46 =	vsel vm10, $0xFF7FFFFF, v15;
	vm9 =	veq.s32 v44, v6  }
0x70: {  	v47 =	vsel vm9, $0xFF7FFFFF, v16;
	vm9 =	veq.s32 v44, v7;
	v48 =	vmax.f32 v45, v46  }
0x71: {  	v8 =	vsel vm9, $0xFF7FFFFF, v8;
	v9 =	vmax.f32 v48, v47  }
0x72: {  	v9 =	vmax.f32 v9, v8  }
0x73: {  	(xrf0) =	vmax.scan.msk.f32 $0xffff, v9;
	_ =	sdelay $0x5  }
0x74: {  	v49 =	vld [tilespmem:$0x100];
	v9, _, _ =	vpop (xrf0)  }
0x75: {  	v51 =	vld [tilespmem:$0x110];
	v50 =	vbroadcast v9, $0xF  }
0x76: {  	v52 =	vld [tilespmem:$0x120]  }
0x77: {  	v53 =	vld [tilespmem:$0x130];
	vm9 =	veq.f32 v45, v50  }
0x78: {  	v54 =	vnsel vm9, $0x80000040, v1;
	vm9 =	veq.f32 v46, v50  }
0x79: {  	(xrf0) =	vmin.scan.msk.u32 $0xffff, v54;
	v11 =	vnsel vm9, $0x80000040, v2;
	vm9 =	veq.f32 v47, v50  }
0x7a: {  	(xrf0) =	vmin.scan.msk.u32 $0xffff, v11;
	v55 =	vnsel vm9, $0x80000040, v3;
	vm9 =	veq.f32 v8, v50;
	v8 =	vmax.f32 v49, v51  }
0x7b: {  	(xrf0) =	vmin.scan.msk.u32 $0xffff, v55;
	v56 =	vnsel vm9, $0x80000040, v4;
	v8 =	vmax.f32 v8, v52  }
0x7c: {  	(xrf0) =	vmin.scan.msk.u32 $0xffff, v56;
	v8 =	vmax.f32 v8, v53  }
0x7d: {  	(xrf0) =	vmax.scan.msk.f32 $0xffff, v8;
	_ =	sdelay $0x1  }
0x7e: {  	v8, _, _ =	vpop (xrf0)  }
0x7f: {  	v57, _, _ =	vpop (xrf0)  }
0x80: {  	v58, _, _ =	vpop (xrf0)  }
0x81: {  	v59, _, _ =	vpop (xrf0)  }
0x82: {  	v60, _, _ =	vpop (xrf0)  }
0x83: {  	v61 =	vbroadcast v60, $0xF;
	_ =	sdelay $0x1  }
0x84: {  	vm9 =	veq.f32 v49, v61  }
0x85: {  	v62 =	vnsel vm9, $0x80000040, v1;
	vm9 =	veq.f32 v51, v61  }
0x86: {  	(xrf0) =	vmin.scan.msk.u32 $0xffff, v62;
	v63 =	vnsel vm9, $0x80000040, v2  }
0x87: {  	(v2sf) =	vpush v9, $0xF;
	vm9 =	veq.f32 v52, v61;
	(xrf0) =	vmin.scan.msk.u32 $0xffff, v63  }
0x88: {  	(v2sf) =	vpush v8, $0xF;
	v8 =	vnsel vm9, $0x80000040, v3;
	vm9 =	veq.f32 v53, v61  }
0x89: {  	(v2sf) =	vpush v57, $0xF;
	(xrf0) =	vmin.scan.msk.u32 $0xffff, v8;
	v8 =	vnsel vm9, $0x80000040, v4  }
0x8a: {  	(v2sf) =	vpush v58, $0xF  }
0x8b: {  	(v2sf) =	vpush v59, $0xF;
	(xrf0) =	vmin.scan.msk.u32 $0xffff, v8  }
0x8c: {  	(v2sf) =	vpush v60, $0xF;
	v8, _, _ =	vpop (xrf0)  }
0x8d: {  	(v2sf) =	vpush v8, $0xF;
	v8, _, _ =	vpop (xrf0)  }
0x8e: {  	(v2sf) =	vpush v8, $0xF  }
0x8f: {  	v8, _, _ =	vpop (xrf0)  }
0x90: {  	(v2sf) =	vpush v8, $0xF  }
0x91: {  	v8, _, _ =	vpop (xrf0)  }
0x92: {  	(v2sf) =	vpush v8, $0xF;
	_ =	sdelay $0x3  }
0x93: {  	s21 =	spop (v2sf)  }
0x94: {  	s17 =	spop (v2sf)  }
0x95: {  	s18 =	spop (v2sf)  }
0x96: {  	s15 =	spop (v2sf)  }
0x97: {  	s14 =	spop (v2sf)  }
0x98: {  	s19 =	spop (v2sf)  }
0x99: {  	s26 =	spop (v2sf)  }
0x9a: {  	s20 =	spop (v2sf)  }
0x9b: {  	s12 =	sxor.u32 $0x80000000, s26;
	s20 =	sxor.u32 $0x80000000, s20  }
0x9c: {  	s22 =	spop (v2sf);
	p0 =	slt.s32 s12, s20  }
0x9d: {  	s22 =	sxor.u32 $0x80000000, s22;
	s20 =	smov.u32 @p0 s12  }
0x9e: {  	s28 =	spop (v2sf);
	p0 =	slt.s32 s20, s22  }
0x9f: {  	s12 =	sxor.u32 $0x80000000, s28;
	s22 =	smov.u32 @p0 s20  }
0xa0: {  	p0 =	slt.s32 s22, s12  }
0xa1: {  	s12 =	smov.u32 @p0 s22  }
0xa2: {  	p0 =	slt.s32 s12, $0x40  }
0xa3: {  	s12 =	simm.s32 @!p0 $0x40  }
0xa4: {  	v8 =	vmov s12  }
0xa5: {  	vm9 =	veq.s32 v8, v0;
	vm10 =	veq.s32 v8, v5  }
0xa6: {  	v20 =	vsel vm9, $0xFF7FFFFF, v49;
	v21 =	vsel vm10, $0xFF7FFFFF, v51;
	vm9 =	veq.s32 v8, v6  }
0xa7: {  	v22 =	vsel vm9, $0xFF7FFFFF, v52;
	vm9 =	veq.s32 v8, v7;
	v8 =	vmax.f32 v20, v21  }
0xa8: {  	v10 =	vsel vm9, $0xFF7FFFFF, v53;
	v8 =	vmax.f32 v8, v22  }
0xa9: {  	v8 =	vmax.f32 v8, v10  }
0xaa: {  	(xrf0) =	vmax.scan.msk.f32 $0xffff, v8;
	_ =	sdelay $0x5  }
0xab: {  	v23 =	vld [tilespmem:$0x180];
	v8, _, _ =	vpop (xrf0)  }
0xac: {  	v25 =	vld [tilespmem:$0x190];
	v24 =	vbroadcast v8, $0xF  }
0xad: {  	v26 =	vld [tilespmem:$0x1A0]  }
0xae: {  	v27 =	vld [tilespmem:$0x1B0];
	vm9 =	veq.f32 v20, v24  }
0xaf: {  	v28 =	vnsel vm9, $0x80000040, v1;
	vm9 =	veq.f32 v21, v24  }
0xb0: {  	(xrf0) =	vmin.scan.msk.u32 $0xffff, v28;
	v11 =	vnsel vm9, $0x80000040, v2;
	vm9 =	veq.f32 v22, v24  }
0xb1: {  	v30 =	vmax.f32 v23, v25;
	(xrf0) =	vmin.scan.msk.u32 $0xffff, v11;
	v29 =	vnsel vm9, $0x80000040, v3;
	vm9 =	veq.f32 v10, v24  }
0xb2: {  	v10 =	vmax.f32 v30, v26;
	(xrf0) =	vmin.scan.msk.u32 $0xffff, v29;
	v31 =	vnsel vm9, $0x80000040, v4  }
0xb3: {  	v10 =	vmax.f32 v10, v27;
	(xrf0) =	vmin.scan.msk.u32 $0xffff, v31  }
0xb4: {  	(xrf0) =	vmax.scan.msk.f32 $0xffff, v10;
	_ =	sdelay $0x1  }
0xb5: {  	v32, _, _ =	vpop (xrf0)  }
0xb6: {  	v33, _, _ =	vpop (xrf0)  }
0xb7: {  	v34, _, _ =	vpop (xrf0)  }
0xb8: {  	v35, _, _ =	vpop (xrf0)  }
0xb9: {  	v36, _, _ =	vpop (xrf0)  }
0xba: {  	v37 =	vbroadcast v36, $0xF;
	_ =	sdelay $0x1  }
0xbb: {  	vm9 =	veq.f32 v23, v37  }
0xbc: {  	v38 =	vnsel vm9, $0x80000040, v1;
	vm9 =	veq.f32 v25, v37  }
0xbd: {  	(xrf0) =	vmin.scan.msk.u32 $0xffff, v38;
	v39 =	vnsel vm9, $0x80000040, v2  }
0xbe: {  	(v2sf) =	vpush v8, $0xF;
	vm9 =	veq.f32 v26, v37;
	(xrf0) =	vmin.scan.msk.u32 $0xffff, v39  }
0xbf: {  	(v2sf) =	vpush v32, $0xF;
	v8 =	vnsel vm9, $0x80000040, v3;
	vm9 =	veq.f32 v27, v37  }
0xc0: {  	(v2sf) =	vpush v33, $0xF;
	(xrf0) =	vmin.scan.msk.u32 $0xffff, v8;
	v8 =	vnsel vm9, $0x80000040, v4  }
0xc1: {  	(v2sf) =	vpush v34, $0xF  }
0xc2: {  	(v2sf) =	vpush v35, $0xF;
	(xrf0) =	vmin.scan.msk.u32 $0xffff, v8  }
0xc3: {  	(v2sf) =	vpush v36, $0xF;
	v8, _, _ =	vpop (xrf0)  }
0xc4: {  	v40, _, _ =	vpop (xrf0);
	(v2sf) =	vpush v8, $0xF  }
0xc5: {  	(v2sf) =	vpush v40, $0xF  }
0xc6: {  	v8, _, _ =	vpop (xrf0)  }
0xc7: {  	(v2sf) =	vpush v8, $0xF  }
0xc8: {  	v8, _, _ =	vpop (xrf0)  }
0xc9: {  	(v2sf) =	vpush v8, $0xF;
	_ =	sdelay $0x3  }
0xca: {  	s26 =	spop (v2sf)  }
0xcb: {  	s23 =	spop (v2sf)  }
0xcc: {  	s24 =	spop (v2sf)  }
0xcd: {  	s22 =	spop (v2sf)  }
0xce: {  	s20 =	spop (v2sf)  }
0xcf: {  	s25 =	spop (v2sf)  }
0xd0: {  	s28 =	spop (v2sf)  }
0xd1: {  	s8 =	ssub.f32 s16, s8;
	s29 =	spop (v2sf)  }
0xd2: {  	s28 =	sxor.u32 $0x80000000, s28;
	s16 =	sxor.u32 $0x80000000, s29  }
0xd3: {  	v8 =	vmov s8;
	s30 =	spop (v2sf);
	p0 =	slt.s32 s28, s16  }
0xd4: {  	v8 =	vmul.f32 $1.442695020e+00, v8;
	s16 =	smov.u32 @p0 s28;
	s28 =	sxor.u32 $0x80000000, s30  }
0xd5: {  	s31 =	spop (v2sf);
	p0 =	slt.s32 s16, s28  }
0xd6: {  	v8 =	vbroadcast v8, $0x0;
	s8 =	sxor.u32 $0x80000000, s31;
	s28 =	smov.u32 @p0 s16  }
0xd7: {  	p0 =	slt.s32 s28, s8  }
0xd8: {  	(erf) = vpow2.f32 v8;
	s8 =	smov.u32 @p0 s28  }
0xd9: {  	p0 =	slt.s32 s8, $0x40  }
0xda: {  	s8 =	simm.s32 @!p0 $0x40  }
0xdb: {  	v8 =	vmov s8  }
0xdc: {  	vm9 =	veq.s32 v8, v0;
	vm10 =	veq.s32 v8, v5  }
0xdd: {  	v41 =	vsel vm9, $0xFF7FFFFF, v23;
	v42 =	vsel vm10, $0xFF7FFFFF, v25;
	vm9 =	veq.s32 v8, v6  }
0xde: {  	s13 =	ssub.f32 s21, s13;
	v43 =	vsel vm9, $0xFF7FFFFF, v26;
	vm9 =	veq.s32 v8, v7;
	v8 =	vmax.f32 v41, v42  }
0xdf: {  	v9 =	vsel vm9, $0xFF7FFFFF, v27;
	v8 =	vmax.f32 v8, v43  }
0xe0: {  	v44 =	vmov s13;
	v8 =	vmax.f32 v8, v9  }
0xe1: {  	v13 =	vmul.f32 $1.442695020e+00, v44;
	v45 =	vpop (erf);
	(xrf0) =	vmax.scan.msk.f32 $0xffff, v8  }
0xe2: {  	v8 =	vadd.f32 $1.000000000e+00, v45  }
0xe3: {  	v13 =	vbroadcast v13, $0x0  }
0xe4: {  	(erf) = vrcp.f32 v8  }
0xe5: {  	(erf) = vpow2.f32 v13;
	_ =	sdelay $0x1  }
0xe6: {  	v8, _, _ =	vpop (xrf0)  }
0xe7: {  	(v2sf) =	vpush v8, $0xF  }
0xe8: {  	v8 =	vbroadcast v8, $0xF;
	_ =	sdelay $0x1  }
0xe9: {  	s16 =	ssub.f32 s26, s19;
	vm9 =	veq.f32 v41, v8  }
0xea: {  	v10 =	vnsel vm9, $0x80000040, v1  }
0xeb: {  	v47 =	vmov s16;
	v46 =	vpop (erf);
	(xrf0) =	vmin.scan.msk.u32 $0xffff, v10  }
0xec: {  	v13 =	vmul.f32 $1.442695020e+00, v47;
	vm9 =	veq.f32 v42, v8;
	v49 =	vpop (erf)  }
0xed: {  	v48 =	vnsel vm9, $0x80000040, v2;
	v50 =	vadd.f32 $1.000000000e+00, v49  }
0xee: {  	v13 =	vbroadcast v13, $0x0;
	(xrf0) =	vmin.scan.msk.u32 $0xffff, v48  }
0xef: {  	vm9 =	veq.f32 v43, v8;
	(erf) = vrcp.f32 v50  }
0xf0: {  	v51 =	vnsel vm9, $0x80000040, v3;
	(erf) = vpow2.f32 v13  }
0xf1: {  	v52, _, _ =	vpop (xrf0);
	(xrf0) =	vmin.scan.msk.u32 $0xffff, v51;
	_ =	sdelay $0x1  }
0xf2: {  	vm9 =	veq.f32 v9, v8  }
0xf3: {  	v8 =	vnsel vm9, $0x80000040, v4;
	(v2sf) =	vpush v52, $0xF;
	v53, _, _ =	vpop (xrf0)  }
0xf4: {  	(xrf0) =	vmin.scan.msk.u32 $0xffff, v8;
	(v2sf) =	vpush v53, $0xF;
	s19 =	spop (v2sf)  }
0xf5: {  	s13 =	ssub.f32 s19, s25  }
0xf6: {  	v8, _, _ =	vpop (xrf0)  }
0xf7: {  	v55 =	vpop (erf);
	v54 =	vmov s13  }
0xf8: {  	(v2sf) =	vpush v8, $0xF;
	v8 =	vpop (erf);
	v9 =	vmul.f32 $1.442695020e+00, v54  }
0xf9: {  	s10 =	sxor.u32 $0x80000000, s10;
	s11 =	sxor.u32 $0x80000000, s11;
	v8 =	vadd.f32 $1.000000000e+00, v8  }
0xfa: {  	p0 =	slt.s32 s10, s11;
	v56, _, _ =	vpop (xrf0);
	v9 =	vbroadcast v9, $0x0  }
0xfb: {  	s5 =	scvt.s32.f32 s5;
	s9 =	sxor.u32 $0x80000000, s9;
	s11 =	smov.u32 @p0 s10;
	(v2sf) =	vpush v56, $0xF;
	(erf) = vrcp.f32 v8  }
0xfc: {  	s7 =	sxor.u32 $0x80000000, s7;
	s6 =	scvt.s32.f32 s6;
	p0 =	slt.s32 s11, s9;
	(erf) = vpow2.f32 v9  }
0xfd: {  	s10 =	sxor.u32 $0x80000000, s17;
	s9 =	smov.u32 @p0 s11;
	s11 =	sxor.u32 $0x80000000, s18  }
0xfe: {  	s14 =	sxor.u32 $0x80000000, s14;
	p0 =	slt.s32 s9, s7;
	p1 =	slt.s32 s10, s11  }
0xff: {  	s7 =	smov.u32 @p0 s9;
	s11 =	smov.u32 @p1 s10;
	s9 =	sxor.u32 $0x80000000, s15  }
0x100: {  	s10 =	sxor.u32 $0x80000000, s23;
	p0 =	slt.s32 s11, s9;
	s13 =	sxor.u32 $0x80000000, s24  }
0x101: {  	s15 =	sxor.u32 $0x80000000, s22;
	s9 =	smov.u32 @p0 s11;
	p0 =	slt.s32 s10, s13  }
0x102: {  	s13 =	smov.u32 @p0 s10;
	p0 =	slt.s32 s7, $0x40;
	s21 =	spop (v2sf)  }
0x103: {  	s7 =	simm.s32 @!p0 $0x40;
	p0 =	slt.s32 s9, s14;
	s23 =	spop (v2sf)  }
0x104: {  	s7 =	scvt.s32.f32 s7;
	s11 =	sxor.u32 $0x80000000, s21;
	s10 =	sxor.u32 $0x80000000, s23;
	v8 =	vpop (erf)  }
0x105: {  	v57 =	vmov s5;
	p1 =	slt.s32 s13, s15;
	s14 =	smov.u32 @p0 s9;
	p0 =	slt.s32 s11, s10;
	v58 =	vpop (erf)  }
0x106: {  	v59 =	vsub.f32 $1.000000000e+00, v46;
	s15 =	smov.u32 @p1 s13;
	v9 =	vsel vm0, s7, v57;
	s10 =	smov.u32 @p0 s11;
	p0 =	slt.s32 s14, $0x40;
	v12 =	vadd.f32 $1.000000000e+00, v58  }
0x107: {  	s7 =	sxor.u32 $0x80000000, s20;
	v9 =	vsel vm1, v9, v46;
	s14 =	simm.s32 @!p0 $0x40;
	s24 =	spop (v2sf)  }
0x108: {  	vm9 =	veq.s32 v0, $0x4;
	v9 =	vsel vm2, v9, v59;
	p0 =	slt.s32 s15, s7;
	s25 =	scvt.s32.f32 s14;
	s5 =	sxor.u32 $0x80000000, s24;
	(erf) = vrcp.f32 v12  }
0x109: {  	v9 =	vsel vm9, s6, v9;
	vm9 =	veq.s32 v0, $0x5;
	s7 =	smov.u32 @p0 s15;
	p0 =	slt.s32 s10, s5  }
0x10a: {  	v60 =	vsub.f32 $1.000000000e+00, v55;
	s26 =	spop (v2sf);
	v9 =	vsel vm9, s25, v9;
	s5 =	smov.u32 @p0 s10;
	p0 =	slt.s32 s7, $0x40  }
0x10b: {  	s28 =	scvt.s32.f32 s12;
	s6 =	sxor.u32 $0x80000000, s26;
	v9 =	vsel vm3, v9, v55;
	s7 =	simm.s32 @!p0 $0x40  }
0x10c: {  	vm9 =	veq.s32 v0, $0x8;
	v9 =	vsel vm4, v9, v60;
	p0 =	slt.s32 s5, s6;
	s7 =	scvt.s32.f32 s7  }
0x10d: {  	v9 =	vsel vm9, s28, v9;
	vm9 =	veq.s32 v0, $0x9;
	s6 =	smov.u32 @p0 s5  }
0x10e: {  	v61 =	vsub.f32 $1.000000000e+00, v8;
	p0 =	slt.s32 s6, $0x40;
	v9 =	vsel vm9, s7, v9  }
0x10f: {  	s29 =	scvt.s32.f32 s8;
	s6 =	simm.s32 @!p0 $0x40;
	v8 =	vsel vm5, v9, v8  }
0x110: {  	vm9 =	veq.s32 v0, $0xC;
	s6 =	scvt.s32.f32 s6;
	v8 =	vsel vm6, v8, v61  }
0x111: {  	v8 =	vsel vm9, s29, v8;
	vm9 =	veq.s32 v0, $0xD;
	v62 =	vpop (erf)  }
0x112: {  	v8 =	vsel vm9, s6, v8;
	v63 =	vsub.f32 $1.000000000e+00, v62  }
0x113: {  	v8 =	vsel vm7, v8, v62  }
0x114: {  	s30 =	rddreg [dreg:$0x4];
	p0 =	sne.s32 s3, $0x1;
	v8 =	vsel vm8, v8, v63  }
.Ltmp0:
0x115: {  	s31 =	rddreg [dreg:$0x5];
	[tilespmem:$0x200] =	vst v8;
	(pc) =	sbr.rel @p0 .LBB2_1-.Ltmp0, $4  }
0x116: {  	[hbm4b:s30+s1] =	stream.linear.scatter [tilespmem:s31], [sflag:$0x1], $0x10, $0x38;
	[tilespmem:$0x280] =	vst v63  }
0x117: {  	_ =	swait.ge [sflag:s4], $0x10  }
0x118: {  	[sflag:s4] =	ssyncset.done $0x0  }
0x119: {  	s3 =	sadd.s32 $0xFFFFFFFF, s3;
	[sflag:s4] =	ssyncadd.s32 $0xFFFFFFF0  }
0x11a: {  	_ =	sfence.sel $0x180000  }
0x11b: {  	[bflag:$0x0] =	sbarrier.arrive $0xFFFF  }
0x11c: {  	p0 =	sne.s32 s2, $0x0;
	_ =	strace $0x90000047  }
0x11d: {  	s0 =	sadd.s32 @!p0 $0x100000, s0;
	[bflag:$0x2] =	sbarrier.arrive $0xFFFF  }
0x11e: {  	[sflag:s0] =	ssyncadd.tile.s32 @!p0 $0x1;
	_ =	shalt  }
.Lfunc_end2:
_tile_overlayer_lowered:
.L_overlay_start_2:
0x11f: {  	(tag) =	ssettag $0x2  }
0x120: {  	s0 =	rddreg [dreg:$0x0];
	s2 =	stileid.u32  }
0x121: {  	s1 =	rddreg [dreg:$0x1];
	p0 =	sne.s32 s2, $0x0  }
0x122: {  	s3 =	rddreg [dreg:$0x2];
	[bflag:$0x3] =	sbarrier.arrive $0xFFFF;
	s2 =	simm.s32 @!p0 $0x1C01  }
0x123: {  	[timem:s3], [sflag:s2] =	dma.local @!p0 [hbm:s0], s1  }
0x124: {  	s0 =	simm.s32 @!p0 $0x1  }
0x125: {  	_ =	swait.ge @!p0 [sflag:s0], s1  }
0x126: {  	s1 =	ssub.s32 @!p0 $0x0, s1;
	[sflag:s0] =	ssyncset.done @!p0 $0x0  }
0x127: {  	[sflag:s0] =	ssyncadd.s32 @!p0 s1  }
0x128: {  	[bflag:$0x3] =	sbarrier.arrive $0xFFFF  }
0x129: {  	_ =	shalt  }

</sc_bundles>
